<compile_context>
chip_gen: v7x
topology: tpu7x:2x2x1
jax: 0.10.2.dev20260603
libtpu: 0.0.44.dev20260713+nightly
codegen_flags: <defaults>
</compile_context>

<pallas_src>
import functools

import jax
import jax.numpy as jnp
from jax import lax
from jax.experimental import pallas as pl
from jax.experimental.pallas import tpu as pltpu
from jax.experimental.pallas import tpu_sc as plsc

R, C = 128, 32768
H = C // 2
L = 16
NC, NS = 2, 16
NW = NC * NS
ROWS_PER_W = R // NW
U = 8


def _body(in_hbm, out_hbm, in0, in1, out0, out1, red16,
          isem0, isem1, osem0, osem1):
    wid = lax.axis_index("s") * NC + lax.axis_index("c")
    row0 = wid * ROWS_PER_W

    in_bufs = (in0, in1)
    in_sems = (isem0, isem1)
    out_bufs = (out0, out1)
    out_sems = (osem0, osem1)

    neg_inf = jnp.full((L,), -jnp.inf, jnp.float32)
    one = jnp.full((L,), 1, jnp.int32)
    zero = jnp.full((L,), 0, jnp.int32)

    n_chunks = C // (L * U)
    n_chunks_h = H // (L * U)

    in_dma = [None, None]
    out_dma = [None, None]

    in_dma[0] = pltpu.async_copy(in_hbm.at[row0], in0, isem0)

    for i in range(ROWS_PER_W):
        buf = in_bufs[i % 2]
        in_dma[i % 2].wait()
        if i + 1 < ROWS_PER_W:
            nxt = (i + 1) % 2
            in_dma[nxt] = pltpu.async_copy(
                in_hbm.at[row0 + i + 1], in_bufs[nxt], in_sems[nxt])

        def max_body(k, accs):
            base = k * (L * U)
            return tuple(
                jnp.maximum(a, buf[pl.ds(base + j * L, L)])
                for j, a in enumerate(accs)
            )

        accs = lax.fori_loop(0, n_chunks, max_body, (neg_inf,) * U)
        acc = functools.reduce(jnp.maximum, accs)
        srt, _ = plsc.sort_key_val(acc, acc)
        red16[...] = srt
        mxv = plsc.load_gather(red16, [jnp.full((L,), L - 1, jnp.int32)])

        for h in range(2):
            ob = out_bufs[h]
            if out_dma[h] is not None:
                out_dma[h].wait()

            def cmp_body(k, carry):
                src = h * H + k * (L * U)
                dst = k * (L * U)
                for j in range(U):
                    v = buf[pl.ds(src + j * L, L)]
                    ob[pl.ds(dst + j * L, L)] = jnp.where(v == mxv, one, zero)
                return carry

            lax.fori_loop(0, n_chunks_h, cmp_body, 0)
            out_dma[h] = pltpu.async_copy(
                ob, out_hbm.at[row0 + i, pl.ds(h * H, H)], out_sems[h])

    out_dma[0].wait()
    out_dma[1].wait()


def kernel(input):
    mesh = plsc.VectorSubcoreMesh(core_axis_name="c", subcore_axis_name="s")
    k = pl.kernel(
        _body,
        out_type=jax.ShapeDtypeStruct((R, C), jnp.int32),
        mesh=mesh,
        scratch_types=[
            pltpu.VMEM((C,), jnp.float32),
            pltpu.VMEM((C,), jnp.float32),
            pltpu.VMEM((H,), jnp.int32),
            pltpu.VMEM((H,), jnp.int32),
            pltpu.VMEM((L,), jnp.float32),
            pltpu.SemaphoreType.DMA,
            pltpu.SemaphoreType.DMA,
            pltpu.SemaphoreType.DMA,
            pltpu.SemaphoreType.DMA,
        ],
        compiler_params=pltpu.CompilerParams(needs_layout_passes=False),
    )
    return k(input)

# --- scband reference (transcript-rebuilt; emitter-appended) ---
"""Pipeline reference for scband-maxs-3813930959300 (READ-ONLY COPY).

The authoritative reference and input builder live on the scoring server;
editing this copy changes nothing except your own understanding.
"""

import jax, jax.numpy as jnp
import numpy as np

def setup_inputs(seed: int = 0) -> dict:
    key = jax.random.key(seed)
    x = jax.random.normal(key, (128, 32768), dtype=jnp.float32)
    return {"input": x}

def reference(input) -> jnp.ndarray:
    # For each row: 1 where element equals the row max, else 0 (ties all get 1).
    row_max = jnp.max(input, axis=1, keepdims=True)
    output = (input == row_max).astype(jnp.int32)
    return output

if __name__ == "__main__":
    import jax
    _d = setup_inputs()
    print(jax.jit(kernel)(*tuple(_d.values())))

</pallas_src>

<mosaic_0001>
#map = affine_map<(d0, d1) -> (0, 0)>
module attributes {stable_mosaic.version = 14 : i64} {
  func.func @_body(%arg0: i32, %arg1: i32, %arg2: memref<128x32768xf32, #tpu.memory_space<hbm>>, %arg3: memref<128x32768xi32, #tpu.memory_space<hbm>>, %arg4: memref<32768xf32, #tpu.memory_space<vmem>>, %arg5: memref<32768xf32, #tpu.memory_space<vmem>>, %arg6: memref<16384xi32, #tpu.memory_space<vmem>>, %arg7: memref<16384xi32, #tpu.memory_space<vmem>>, %arg8: memref<16xf32, #tpu.memory_space<vmem>>, %arg9: memref<!tpu.dma_semaphore, #tpu.memory_space<semaphore_mem>>, %arg10: memref<!tpu.dma_semaphore, #tpu.memory_space<semaphore_mem>>, %arg11: memref<!tpu.dma_semaphore, #tpu.memory_space<semaphore_mem>>, %arg12: memref<!tpu.dma_semaphore, #tpu.memory_space<semaphore_mem>>) attributes {dimension_semantics = [#tpu.dimension_semantics<core_parallel>, #tpu.dimension_semantics<subcore_parallel>], iteration_bounds = array<i64: 2, 16>, scalar_prefetch = 0 : i64, scratch_operands = 9 : i64, tpu.core_type = #tpu.core_type<sc_vector_subcore>, window_params = [{transform_indices = #map}, {transform_indices = #map}]} {
    %mul3A = arith.constant 2 : i32
    %mul3A_0 = arith.muli %arg1, %mul3A : i32
    %add3A = arith.addi %mul3A_0, %arg0 : i32
    %mul3A_1 = arith.constant 4 : i32
    %mul3A_2 = arith.muli %add3A, %mul3A_1 : i32
    %broadcast_in_dim3A = arith.constant 0xFF800000 : f32
    %broadcast_in_dim3A_3 = vector.broadcast %broadcast_in_dim3A : f32 to vector<16xf32>
    %broadcast_in_dim3A_4 = arith.constant 1 : i32
    %broadcast_in_dim3A_5 = vector.broadcast %broadcast_in_dim3A_4 : i32 to vector<16xi32>
    %broadcast_in_dim3A_6 = arith.constant 0 : i32
    %broadcast_in_dim3A_7 = vector.broadcast %broadcast_in_dim3A_6 : i32 to vector<16xi32>
    %dma_start3A = arith.constant 0 : i32
    %dma_start3A_8 = tpu.memref_slice %arg2[%mul3A_2, %dma_start3A] : memref<128x32768xf32, #tpu.memory_space<hbm>> -> memref<1x32768xf32, #tpu.memory_space<hbm>>
    %dma_start3A_9 = tpu.memref_squeeze %dma_start3A_8 : memref<1x32768xf32, #tpu.memory_space<hbm>> -> memref<32768xf32, #tpu.memory_space<hbm>>
    %dma_start3A_10 = arith.constant 0 : i32
    %dma_start3A_11 = tpu.memref_slice %arg2[%mul3A_2, %dma_start3A_10] : memref<128x32768xf32, #tpu.memory_space<hbm>> -> memref<1x32768xf32, #tpu.memory_space<hbm>>
    %dma_start3A_12 = tpu.memref_squeeze %dma_start3A_11 : memref<1x32768xf32, #tpu.memory_space<hbm>> -> memref<32768xf32, #tpu.memory_space<hbm>>
    tpu.enqueue_dma source(%dma_start3A_12 : memref<32768xf32, #tpu.memory_space<hbm>>) target(%arg4 : memref<32768xf32, #tpu.memory_space<vmem>>) target_semaphore(%arg9 : memref<!tpu.dma_semaphore, #tpu.memory_space<semaphore_mem>>)
    %dma_wait3A = arith.constant 0 : i32
    %dma_wait3A_13 = tpu.memref_slice %arg2[%mul3A_2, %dma_wait3A] : memref<128x32768xf32, #tpu.memory_space<hbm>> -> memref<1x32768xf32, #tpu.memory_space<hbm>>
    %dma_wait3A_14 = tpu.memref_squeeze %dma_wait3A_13 : memref<1x32768xf32, #tpu.memory_space<hbm>> -> memref<32768xf32, #tpu.memory_space<hbm>>
    %dma_wait3A_15 = arith.constant 0 : i32
    %dma_wait3A_16 = tpu.memref_slice %arg2[%mul3A_2, %dma_wait3A_15] : memref<128x32768xf32, #tpu.memory_space<hbm>> -> memref<1x32768xf32, #tpu.memory_space<hbm>>
    %dma_wait3A_17 = tpu.memref_squeeze %dma_wait3A_16 : memref<1x32768xf32, #tpu.memory_space<hbm>> -> memref<32768xf32, #tpu.memory_space<hbm>>
    tpu.wait_dma2 semaphore(%arg9 : memref<!tpu.dma_semaphore, #tpu.memory_space<semaphore_mem>>) src(%dma_wait3A_17 : memref<32768xf32, #tpu.memory_space<hbm>>) dst(%arg4 : memref<32768xf32, #tpu.memory_space<vmem>>)
    %add3A_18 = arith.constant 0 : i32
    %add3A_19 = arith.addi %mul3A_2, %add3A_18 : i32
    %add3A_20 = arith.constant 1 : i32
    %add3A_21 = arith.addi %add3A_19, %add3A_20 : i32
    %dma_start3A_22 = arith.constant 0 : i32
    %dma_start3A_23 = tpu.memref_slice %arg2[%add3A_21, %dma_start3A_22] : memref<128x32768xf32, #tpu.memory_space<hbm>> -> memref<1x32768xf32, #tpu.memory_space<hbm>>
    %dma_start3A_24 = tpu.memref_squeeze %dma_start3A_23 : memref<1x32768xf32, #tpu.memory_space<hbm>> -> memref<32768xf32, #tpu.memory_space<hbm>>
    %dma_start3A_25 = arith.constant 0 : i32
    %dma_start3A_26 = tpu.memref_slice %arg2[%add3A_21, %dma_start3A_25] : memref<128x32768xf32, #tpu.memory_space<hbm>> -> memref<1x32768xf32, #tpu.memory_space<hbm>>
    %dma_start3A_27 = tpu.memref_squeeze %dma_start3A_26 : memref<1x32768xf32, #tpu.memory_space<hbm>> -> memref<32768xf32, #tpu.memory_space<hbm>>
    tpu.enqueue_dma source(%dma_start3A_27 : memref<32768xf32, #tpu.memory_space<hbm>>) target(%arg5 : memref<32768xf32, #tpu.memory_space<vmem>>) target_semaphore(%arg10 : memref<!tpu.dma_semaphore, #tpu.memory_space<semaphore_mem>>)
    %scan3A = arith.constant 0 : i32
    %scan3A_28 = arith.constant 256 : i32
    %scan3A_29 = arith.addi %scan3A, %scan3A_28 : i32
    %scan3A_30 = arith.constant 1 : i32
    %scan3A_31:8 = scf.for %scan3A_309 = %scan3A to %scan3A_29 step %scan3A_30 iter_args(%scan3A_310 = %broadcast_in_dim3A_3, %scan3A_311 = %broadcast_in_dim3A_3, %scan3A_312 = %broadcast_in_dim3A_3, %scan3A_313 = %broadcast_in_dim3A_3, %scan3A_314 = %broadcast_in_dim3A_3, %scan3A_315 = %broadcast_in_dim3A_3, %scan3A_316 = %broadcast_in_dim3A_3, %scan3A_317 = %broadcast_in_dim3A_3) -> (vector<16xf32>, vector<16xf32>, vector<16xf32>, vector<16xf32>, vector<16xf32>, vector<16xf32>, vector<16xf32>, vector<16xf32>)  : i32 {
      %mul3A_318 = arith.constant 128 : i32
      %mul3A_319 = arith.muli %scan3A_309, %mul3A_318 : i32
      %add3A_320 = arith.constant 0 : i32
      %add3A_321 = arith.addi %mul3A_319, %add3A_320 : i32
      %get3A = arith.index_cast %add3A_321 : i32 to index
      %get3A_322 = tpu.vector_load %arg4[%get3A] {strides = array<i32>} : memref<32768xf32, #tpu.memory_space<vmem>>, vector<16xf32>,
      %max3A_323 = arith.maximumf %scan3A_310, %get3A_322 : vector<16xf32>
      %add3A_324 = arith.constant 16 : i32
      %add3A_325 = arith.addi %mul3A_319, %add3A_324 : i32
      %get3A_326 = arith.index_cast %add3A_325 : i32 to index
      %get3A_327 = tpu.vector_load %arg4[%get3A_326] {strides = array<i32>} : memref<32768xf32, #tpu.memory_space<vmem>>, vector<16xf32>,
      %max3A_328 = arith.maximumf %scan3A_311, %get3A_327 : vector<16xf32>
      %add3A_329 = arith.constant 32 : i32
      %add3A_330 = arith.addi %mul3A_319, %add3A_329 : i32
      %get3A_331 = arith.index_cast %add3A_330 : i32 to index
      %get3A_332 = tpu.vector_load %arg4[%get3A_331] {strides = array<i32>} : memref<32768xf32, #tpu.memory_space<vmem>>, vector<16xf32>,
      %max3A_333 = arith.maximumf %scan3A_312, %get3A_332 : vector<16xf32>
      %add3A_334 = arith.constant 48 : i32
      %add3A_335 = arith.addi %mul3A_319, %add3A_334 : i32
      %get3A_336 = arith.index_cast %add3A_335 : i32 to index
      %get3A_337 = tpu.vector_load %arg4[%get3A_336] {strides = array<i32>} : memref<32768xf32, #tpu.memory_space<vmem>>, vector<16xf32>,
      %max3A_338 = arith.maximumf %scan3A_313, %get3A_337 : vector<16xf32>
      %add3A_339 = arith.constant 64 : i32
      %add3A_340 = arith.addi %mul3A_319, %add3A_339 : i32
      %get3A_341 = arith.index_cast %add3A_340 : i32 to index
      %get3A_342 = tpu.vector_load %arg4[%get3A_341] {strides = array<i32>} : memref<32768xf32, #tpu.memory_space<vmem>>, vector<16xf32>,
      %max3A_343 = arith.maximumf %scan3A_314, %get3A_342 : vector<16xf32>
      %add3A_344 = arith.constant 80 : i32
      %add3A_345 = arith.addi %mul3A_319, %add3A_344 : i32
      %get3A_346 = arith.index_cast %add3A_345 : i32 to index
      %get3A_347 = tpu.vector_load %arg4[%get3A_346] {strides = array<i32>} : memref<32768xf32, #tpu.memory_space<vmem>>, vector<16xf32>,
      %max3A_348 = arith.maximumf %scan3A_315, %get3A_347 : vector<16xf32>
      %add3A_349 = arith.constant 96 : i32
      %add3A_350 = arith.addi %mul3A_319, %add3A_349 : i32
      %get3A_351 = arith.index_cast %add3A_350 : i32 to index
      %get3A_352 = tpu.vector_load %arg4[%get3A_351] {strides = array<i32>} : memref<32768xf32, #tpu.memory_space<vmem>>, vector<16xf32>,
      %max3A_353 = arith.maximumf %scan3A_316, %get3A_352 : vector<16xf32>
      %add3A_354 = arith.constant 112 : i32
      %add3A_355 = arith.addi %mul3A_319, %add3A_354 : i32
      %get3A_356 = arith.index_cast %add3A_355 : i32 to index
      %get3A_357 = tpu.vector_load %arg4[%get3A_356] {strides = array<i32>} : memref<32768xf32, #tpu.memory_space<vmem>>, vector<16xf32>,
      %max3A_358 = arith.maximumf %scan3A_317, %get3A_357 : vector<16xf32>
      scf.yield %max3A_323, %max3A_328, %max3A_333, %max3A_338, %max3A_343, %max3A_348, %max3A_353, %max3A_358 : vector<16xf32>, vector<16xf32>, vector<16xf32>, vector<16xf32>, vector<16xf32>, vector<16xf32>, vector<16xf32>, vector<16xf32>
    }
    %scan3A_32 = arith.constant 256 : i32
    %max3A = arith.maximumf %scan3A_31#0, %scan3A_31#1 : vector<16xf32>
    %max3A_33 = arith.maximumf %max3A, %scan3A_31#2 : vector<16xf32>
    %max3A_34 = arith.maximumf %max3A_33, %scan3A_31#3 : vector<16xf32>
    %max3A_35 = arith.maximumf %max3A_34, %scan3A_31#4 : vector<16xf32>
    %max3A_36 = arith.maximumf %max3A_35, %scan3A_31#5 : vector<16xf32>
    %max3A_37 = arith.maximumf %max3A_36, %scan3A_31#6 : vector<16xf32>
    %max3A_38 = arith.maximumf %max3A_37, %scan3A_31#7 : vector<16xf32>
    %masked_sort3A = arith.constant dense<true> : vector<16xi1>
    %masked_sort3A_39, %masked_sort3A_40, %masked_sort3A_41 = tpu.sort %max3A_38, %max3A_38 masked %masked_sort3A : (vector<16xf32>, vector<16xf32>, vector<16xi1>) -> (vector<16xi1>, vector<16xf32>, vector<16xf32>)
    %swap3A = arith.constant 0 : index
    %swap3A_42 = tpu.vector_load %arg8[%swap3A] {strides = array<i32>} : memref<16xf32, #tpu.memory_space<vmem>>, vector<16xf32>,
    tpu.vector_store %arg8[%swap3A], %masked_sort3A_40 {strides = array<i32>} : memref<16xf32, #tpu.memory_space<vmem>>, vector<16xf32>,
    %broadcast_in_dim3A_43 = arith.constant 15 : i32
    %broadcast_in_dim3A_44 = vector.broadcast %broadcast_in_dim3A_43 : i32 to vector<16xi32>
    %gather3A = tpu.vector_load_idx %arg8[%broadcast_in_dim3A_44] : memref<16xf32, #tpu.memory_space<vmem>>[vector<16xi32>], vector<16xf32>,
    %scan3A_45 = arith.constant 0 : i32
    %scan3A_46 = arith.constant 0 : i32
    %scan3A_47 = arith.constant 128 : i32
    %scan3A_48 = arith.addi %scan3A_46, %scan3A_47 : i32
    %scan3A_49 = arith.constant 1 : i32
    scf.for %scan3A_309 = %scan3A_46 to %scan3A_48 step %scan3A_49  : i32 {
      %mul3A_310 = arith.constant 128 : i32
      %mul3A_311 = arith.muli %scan3A_309, %mul3A_310 : i32
      %add3A_312 = arith.constant 0 : i32
      %add3A_313 = arith.addi %add3A_312, %mul3A_311 : i32
      %mul3A_314 = arith.constant 128 : i32
      %mul3A_315 = arith.muli %scan3A_309, %mul3A_314 : i32
      %add3A_316 = arith.constant 0 : i32
      %add3A_317 = arith.addi %add3A_313, %add3A_316 : i32
      %get3A = arith.index_cast %add3A_317 : i32 to index
      %get3A_318 = tpu.vector_load %arg4[%get3A] {strides = array<i32>} : memref<32768xf32, #tpu.memory_space<vmem>>, vector<16xf32>,
      %eq3A = arith.cmpf oeq, %get3A_318, %gather3A : vector<16xf32>
      %select_n3A = arith.select %eq3A, %broadcast_in_dim3A_5, %broadcast_in_dim3A_7 : vector<16xi1>, vector<16xi32>
      %add3A_319 = arith.constant 0 : i32
      %add3A_320 = arith.addi %mul3A_315, %add3A_319 : i32
      %swap3A_321 = arith.index_cast %add3A_320 : i32 to index
      %swap3A_322 = tpu.vector_load %arg6[%swap3A_321] {strides = array<i32>} : memref<16384xi32, #tpu.memory_space<vmem>>, vector<16xi32>,
      tpu.vector_store %arg6[%swap3A_321], %select_n3A {strides = array<i32>} : memref<16384xi32, #tpu.memory_space<vmem>>, vector<16xi32>,
      %add3A_323 = arith.constant 16 : i32
      %add3A_324 = arith.addi %add3A_313, %add3A_323 : i32
      %get3A_325 = arith.index_cast %add3A_324 : i32 to index
      %get3A_326 = tpu.vector_load %arg4[%get3A_325] {strides = array<i32>} : memref<32768xf32, #tpu.memory_space<vmem>>, vector<16xf32>,
      %eq3A_327 = arith.cmpf oeq, %get3A_326, %gather3A : vector<16xf32>
      %select_n3A_328 = arith.select %eq3A_327, %broadcast_in_dim3A_5, %broadcast_in_dim3A_7 : vector<16xi1>, vector<16xi32>
      %add3A_329 = arith.constant 16 : i32
      %add3A_330 = arith.addi %mul3A_315, %add3A_329 : i32
      %swap3A_331 = arith.index_cast %add3A_330 : i32 to index
      %swap3A_332 = tpu.vector_load %arg6[%swap3A_331] {strides = array<i32>} : memref<16384xi32, #tpu.memory_space<vmem>>, vector<16xi32>,
      tpu.vector_store %arg6[%swap3A_331], %select_n3A_328 {strides = array<i32>} : memref<16384xi32, #tpu.memory_space<vmem>>, vector<16xi32>,
      %add3A_333 = arith.constant 32 : i32
      %add3A_334 = arith.addi %add3A_313, %add3A_333 : i32
      %get3A_335 = arith.index_cast %add3A_334 : i32 to index
      %get3A_336 = tpu.vector_load %arg4[%get3A_335] {strides = array<i32>} : memref<32768xf32, #tpu.memory_space<vmem>>, vector<16xf32>,
      %eq3A_337 = arith.cmpf oeq, %get3A_336, %gather3A : vector<16xf32>
      %select_n3A_338 = arith.select %eq3A_337, %broadcast_in_dim3A_5, %broadcast_in_dim3A_7 : vector<16xi1>, vector<16xi32>
      %add3A_339 = arith.constant 32 : i32
      %add3A_340 = arith.addi %mul3A_315, %add3A_339 : i32
      %swap3A_341 = arith.index_cast %add3A_340 : i32 to index
      %swap3A_342 = tpu.vector_load %arg6[%swap3A_341] {strides = array<i32>} : memref<16384xi32, #tpu.memory_space<vmem>>, vector<16xi32>,
      tpu.vector_store %arg6[%swap3A_341], %select_n3A_338 {strides = array<i32>} : memref<16384xi32, #tpu.memory_space<vmem>>, vector<16xi32>,
      %add3A_343 = arith.constant 48 : i32
      %add3A_344 = arith.addi %add3A_313, %add3A_343 : i32
      %get3A_345 = arith.index_cast %add3A_344 : i32 to index
      %get3A_346 = tpu.vector_load %arg4[%get3A_345] {strides = array<i32>} : memref<32768xf32, #tpu.memory_space<vmem>>, vector<16xf32>,
      %eq3A_347 = arith.cmpf oeq, %get3A_346, %gather3A : vector<16xf32>
      %select_n3A_348 = arith.select %eq3A_347, %broadcast_in_dim3A_5, %broadcast_in_dim3A_7 : vector<16xi1>, vector<16xi32>
      %add3A_349 = arith.constant 48 : i32
      %add3A_350 = arith.addi %mul3A_315, %add3A_349 : i32
      %swap3A_351 = arith.index_cast %add3A_350 : i32 to index
      %swap3A_352 = tpu.vector_load %arg6[%swap3A_351] {strides = array<i32>} : memref<16384xi32, #tpu.memory_space<vmem>>, vector<16xi32>,
      tpu.vector_store %arg6[%swap3A_351], %select_n3A_348 {strides = array<i32>} : memref<16384xi32, #tpu.memory_space<vmem>>, vector<16xi32>,
      %add3A_353 = arith.constant 64 : i32
      %add3A_354 = arith.addi %add3A_313, %add3A_353 : i32
      %get3A_355 = arith.index_cast %add3A_354 : i32 to index
      %get3A_356 = tpu.vector_load %arg4[%get3A_355] {strides = array<i32>} : memref<32768xf32, #tpu.memory_space<vmem>>, vector<16xf32>,
      %eq3A_357 = arith.cmpf oeq, %get3A_356, %gather3A : vector<16xf32>
      %select_n3A_358 = arith.select %eq3A_357, %broadcast_in_dim3A_5, %broadcast_in_dim3A_7 : vector<16xi1>, vector<16xi32>
      %add3A_359 = arith.constant 64 : i32
      %add3A_360 = arith.addi %mul3A_315, %add3A_359 : i32
      %swap3A_361 = arith.index_cast %add3A_360 : i32 to index
      %swap3A_362 = tpu.vector_load %arg6[%swap3A_361] {strides = array<i32>} : memref<16384xi32, #tpu.memory_space<vmem>>, vector<16xi32>,
      tpu.vector_store %arg6[%swap3A_361], %select_n3A_358 {strides = array<i32>} : memref<16384xi32, #tpu.memory_space<vmem>>, vector<16xi32>,
      %add3A_363 = arith.constant 80 : i32
      %add3A_364 = arith.addi %add3A_313, %add3A_363 : i32
      %get3A_365 = arith.index_cast %add3A_364 : i32 to index
      %get3A_366 = tpu.vector_load %arg4[%get3A_365] {strides = array<i32>} : memref<32768xf32, #tpu.memory_space<vmem>>, vector<16xf32>,
      %eq3A_367 = arith.cmpf oeq, %get3A_366, %gather3A : vector<16xf32>
      %select_n3A_368 = arith.select %eq3A_367, %broadcast_in_dim3A_5, %broadcast_in_dim3A_7 : vector<16xi1>, vector<16xi32>
      %add3A_369 = arith.constant 80 : i32
      %add3A_370 = arith.addi %mul3A_315, %add3A_369 : i32
      %swap3A_371 = arith.index_cast %add3A_370 : i32 to index
      %swap3A_372 = tpu.vector_load %arg6[%swap3A_371] {strides = array<i32>} : memref<16384xi32, #tpu.memory_space<vmem>>, vector<16xi32>,
      tpu.vector_store %arg6[%swap3A_371], %select_n3A_368 {strides = array<i32>} : memref<16384xi32, #tpu.memory_space<vmem>>, vector<16xi32>,
      %add3A_373 = arith.constant 96 : i32
      %add3A_374 = arith.addi %add3A_313, %add3A_373 : i32
      %get3A_375 = arith.index_cast %add3A_374 : i32 to index
      %get3A_376 = tpu.vector_load %arg4[%get3A_375] {strides = array<i32>} : memref<32768xf32, #tpu.memory_space<vmem>>, vector<16xf32>,
      %eq3A_377 = arith.cmpf oeq, %get3A_376, %gather3A : vector<16xf32>
      %select_n3A_378 = arith.select %eq3A_377, %broadcast_in_dim3A_5, %broadcast_in_dim3A_7 : vector<16xi1>, vector<16xi32>
      %add3A_379 = arith.constant 96 : i32
      %add3A_380 = arith.addi %mul3A_315, %add3A_379 : i32
      %swap3A_381 = arith.index_cast %add3A_380 : i32 to index
      %swap3A_382 = tpu.vector_load %arg6[%swap3A_381] {strides = array<i32>} : memref<16384xi32, #tpu.memory_space<vmem>>, vector<16xi32>,
      tpu.vector_store %arg6[%swap3A_381], %select_n3A_378 {strides = array<i32>} : memref<16384xi32, #tpu.memory_space<vmem>>, vector<16xi32>,
      %add3A_383 = arith.constant 112 : i32
      %add3A_384 = arith.addi %add3A_313, %add3A_383 : i32
      %get3A_385 = arith.index_cast %add3A_384 : i32 to index
      %get3A_386 = tpu.vector_load %arg4[%get3A_385] {strides = array<i32>} : memref<32768xf32, #tpu.memory_space<vmem>>, vector<16xf32>,
      %eq3A_387 = arith.cmpf oeq, %get3A_386, %gather3A : vector<16xf32>
      %select_n3A_388 = arith.select %eq3A_387, %broadcast_in_dim3A_5, %broadcast_in_dim3A_7 : vector<16xi1>, vector<16xi32>
      %add3A_389 = arith.constant 112 : i32
      %add3A_390 = arith.addi %mul3A_315, %add3A_389 : i32
      %swap3A_391 = arith.index_cast %add3A_390 : i32 to index
      %swap3A_392 = tpu.vector_load %arg6[%swap3A_391] {strides = array<i32>} : memref<16384xi32, #tpu.memory_space<vmem>>, vector<16xi32>,
      tpu.vector_store %arg6[%swap3A_391], %select_n3A_388 {strides = array<i32>} : memref<16384xi32, #tpu.memory_space<vmem>>, vector<16xi32>,
    }
    %scan3A_50 = arith.constant 128 : i32
    %add3A_51 = arith.constant 0 : i32
    %add3A_52 = arith.addi %mul3A_2, %add3A_51 : i32
    %dma_start3A_53 = arith.constant 0 : i32
    %dma_start3A_54 = tpu.memref_slice %arg3[%add3A_52, %dma_start3A_53] : memref<128x32768xi32, #tpu.memory_space<hbm>> -> memref<1x16384xi32, #tpu.memory_space<hbm>>
    %dma_start3A_55 = tpu.memref_squeeze %dma_start3A_54 : memref<1x16384xi32, #tpu.memory_space<hbm>> -> memref<16384xi32, #tpu.memory_space<hbm>>
    %dma_start3A_56 = arith.constant 0 : i32
    %dma_start3A_57 = tpu.memref_slice %arg3[%add3A_52, %dma_start3A_56] : memref<128x32768xi32, #tpu.memory_space<hbm>> -> memref<1x16384xi32, #tpu.memory_space<hbm>>
    %dma_start3A_58 = tpu.memref_squeeze %dma_start3A_57 : memref<1x16384xi32, #tpu.memory_space<hbm>> -> memref<16384xi32, #tpu.memory_space<hbm>>
    tpu.enqueue_dma source(%arg6 : memref<16384xi32, #tpu.memory_space<vmem>>) target(%dma_start3A_58 : memref<16384xi32, #tpu.memory_space<hbm>>) target_semaphore(%arg11 : memref<!tpu.dma_semaphore, #tpu.memory_space<semaphore_mem>>)
    %scan3A_59 = arith.constant 0 : i32
    %scan3A_60 = arith.constant 0 : i32
    %scan3A_61 = arith.constant 128 : i32
    %scan3A_62 = arith.addi %scan3A_60, %scan3A_61 : i32
    %scan3A_63 = arith.constant 1 : i32
    scf.for %scan3A_309 = %scan3A_60 to %scan3A_62 step %scan3A_63  : i32 {
      %mul3A_310 = arith.constant 128 : i32
      %mul3A_311 = arith.muli %scan3A_309, %mul3A_310 : i32
      %add3A_312 = arith.constant 16384 : i32
      %add3A_313 = arith.addi %add3A_312, %mul3A_311 : i32
      %mul3A_314 = arith.constant 128 : i32
      %mul3A_315 = arith.muli %scan3A_309, %mul3A_314 : i32
      %add3A_316 = arith.constant 0 : i32
      %add3A_317 = arith.addi %add3A_313, %add3A_316 : i32
      %get3A = arith.index_cast %add3A_317 : i32 to index
      %get3A_318 = tpu.vector_load %arg4[%get3A] {strides = array<i32>} : memref<32768xf32, #tpu.memory_space<vmem>>, vector<16xf32>,
      %eq3A = arith.cmpf oeq, %get3A_318, %gather3A : vector<16xf32>
      %select_n3A = arith.select %eq3A, %broadcast_in_dim3A_5, %broadcast_in_dim3A_7 : vector<16xi1>, vector<16xi32>
      %add3A_319 = arith.constant 0 : i32
      %add3A_320 = arith.addi %mul3A_315, %add3A_319 : i32
      %swap3A_321 = arith.index_cast %add3A_320 : i32 to index
      %swap3A_322 = tpu.vector_load %arg7[%swap3A_321] {strides = array<i32>} : memref<16384xi32, #tpu.memory_space<vmem>>, vector<16xi32>,
      tpu.vector_store %arg7[%swap3A_321], %select_n3A {strides = array<i32>} : memref<16384xi32, #tpu.memory_space<vmem>>, vector<16xi32>,
      %add3A_323 = arith.constant 16 : i32
      %add3A_324 = arith.addi %add3A_313, %add3A_323 : i32
      %get3A_325 = arith.index_cast %add3A_324 : i32 to index
      %get3A_326 = tpu.vector_load %arg4[%get3A_325] {strides = array<i32>} : memref<32768xf32, #tpu.memory_space<vmem>>, vector<16xf32>,
      %eq3A_327 = arith.cmpf oeq, %get3A_326, %gather3A : vector<16xf32>
      %select_n3A_328 = arith.select %eq3A_327, %broadcast_in_dim3A_5, %broadcast_in_dim3A_7 : vector<16xi1>, vector<16xi32>
      %add3A_329 = arith.constant 16 : i32
      %add3A_330 = arith.addi %mul3A_315, %add3A_329 : i32
      %swap3A_331 = arith.index_cast %add3A_330 : i32 to index
      %swap3A_332 = tpu.vector_load %arg7[%swap3A_331] {strides = array<i32>} : memref<16384xi32, #tpu.memory_space<vmem>>, vector<16xi32>,
      tpu.vector_store %arg7[%swap3A_331], %select_n3A_328 {strides = array<i32>} : memref<16384xi32, #tpu.memory_space<vmem>>, vector<16xi32>,
      %add3A_333 = arith.constant 32 : i32
      %add3A_334 = arith.addi %add3A_313, %add3A_333 : i32
      %get3A_335 = arith.index_cast %add3A_334 : i32 to index
      %get3A_336 = tpu.vector_load %arg4[%get3A_335] {strides = array<i32>} : memref<32768xf32, #tpu.memory_space<vmem>>, vector<16xf32>,
      %eq3A_337 = arith.cmpf oeq, %get3A_336, %gather3A : vector<16xf32>
      %select_n3A_338 = arith.select %eq3A_337, %broadcast_in_dim3A_5, %broadcast_in_dim3A_7 : vector<16xi1>, vector<16xi32>
      %add3A_339 = arith.constant 32 : i32
      %add3A_340 = arith.addi %mul3A_315, %add3A_339 : i32
      %swap3A_341 = arith.index_cast %add3A_340 : i32 to index
      %swap3A_342 = tpu.vector_load %arg7[%swap3A_341] {strides = array<i32>} : memref<16384xi32, #tpu.memory_space<vmem>>, vector<16xi32>,
      tpu.vector_store %arg7[%swap3A_341], %select_n3A_338 {strides = array<i32>} : memref<16384xi32, #tpu.memory_space<vmem>>, vector<16xi32>,
      %add3A_343 = arith.constant 48 : i32
      %add3A_344 = arith.addi %add3A_313, %add3A_343 : i32
      %get3A_345 = arith.index_cast %add3A_344 : i32 to index
      %get3A_346 = tpu.vector_load %arg4[%get3A_345] {strides = array<i32>} : memref<32768xf32, #tpu.memory_space<vmem>>, vector<16xf32>,
      %eq3A_347 = arith.cmpf oeq, %get3A_346, %gather3A : vector<16xf32>
      %select_n3A_348 = arith.select %eq3A_347, %broadcast_in_dim3A_5, %broadcast_in_dim3A_7 : vector<16xi1>, vector<16xi32>
      %add3A_349 = arith.constant 48 : i32
      %add3A_350 = arith.addi %mul3A_315, %add3A_349 : i32
      %swap3A_351 = arith.index_cast %add3A_350 : i32 to index
      %swap3A_352 = tpu.vector_load %arg7[%swap3A_351] {strides = array<i32>} : memref<16384xi32, #tpu.memory_space<vmem>>, vector<16xi32>,
      tpu.vector_store %arg7[%swap3A_351], %select_n3A_348 {strides = array<i32>} : memref<16384xi32, #tpu.memory_space<vmem>>, vector<16xi32>,
      %add3A_353 = arith.constant 64 : i32
      %add3A_354 = arith.addi %add3A_313, %add3A_353 : i32
      %get3A_355 = arith.index_cast %add3A_354 : i32 to index
      %get3A_356 = tpu.vector_load %arg4[%get3A_355] {strides = array<i32>} : memref<32768xf32, #tpu.memory_space<vmem>>, vector<16xf32>,
      %eq3A_357 = arith.cmpf oeq, %get3A_356, %gather3A : vector<16xf32>
      %select_n3A_358 = arith.select %eq3A_357, %broadcast_in_dim3A_5, %broadcast_in_dim3A_7 : vector<16xi1>, vector<16xi32>
      %add3A_359 = arith.constant 64 : i32
      %add3A_360 = arith.addi %mul3A_315, %add3A_359 : i32
      %swap3A_361 = arith.index_cast %add3A_360 : i32 to index
      %swap3A_362 = tpu.vector_load %arg7[%swap3A_361] {strides = array<i32>} : memref<16384xi32, #tpu.memory_space<vmem>>, vector<16xi32>,
      tpu.vector_store %arg7[%swap3A_361], %select_n3A_358 {strides = array<i32>} : memref<16384xi32, #tpu.memory_space<vmem>>, vector<16xi32>,
      %add3A_363 = arith.constant 80 : i32
      %add3A_364 = arith.addi %add3A_313, %add3A_363 : i32
      %get3A_365 = arith.index_cast %add3A_364 : i32 to index
      %get3A_366 = tpu.vector_load %arg4[%get3A_365] {strides = array<i32>} : memref<32768xf32, #tpu.memory_space<vmem>>, vector<16xf32>,
      %eq3A_367 = arith.cmpf oeq, %get3A_366, %gather3A : vector<16xf32>
      %select_n3A_368 = arith.select %eq3A_367, %broadcast_in_dim3A_5, %broadcast_in_dim3A_7 : vector<16xi1>, vector<16xi32>
      %add3A_369 = arith.constant 80 : i32
      %add3A_370 = arith.addi %mul3A_315, %add3A_369 : i32
      %swap3A_371 = arith.index_cast %add3A_370 : i32 to index
      %swap3A_372 = tpu.vector_load %arg7[%swap3A_371] {strides = array<i32>} : memref<16384xi32, #tpu.memory_space<vmem>>, vector<16xi32>,
      tpu.vector_store %arg7[%swap3A_371], %select_n3A_368 {strides = array<i32>} : memref<16384xi32, #tpu.memory_space<vmem>>, vector<16xi32>,
      %add3A_373 = arith.constant 96 : i32
      %add3A_374 = arith.addi %add3A_313, %add3A_373 : i32
      %get3A_375 = arith.index_cast %add3A_374 : i32 to index
      %get3A_376 = tpu.vector_load %arg4[%get3A_375] {strides = array<i32>} : memref<32768xf32, #tpu.memory_space<vmem>>, vector<16xf32>,
      %eq3A_377 = arith.cmpf oeq, %get3A_376, %gather3A : vector<16xf32>
      %select_n3A_378 = arith.select %eq3A_377, %broadcast_in_dim3A_5, %broadcast_in_dim3A_7 : vector<16xi1>, vector<16xi32>
      %add3A_379 = arith.constant 96 : i32
      %add3A_380 = arith.addi %mul3A_315, %add3A_379 : i32
      %swap3A_381 = arith.index_cast %add3A_380 : i32 to index
      %swap3A_382 = tpu.vector_load %arg7[%swap3A_381] {strides = array<i32>} : memref<16384xi32, #tpu.memory_space<vmem>>, vector<16xi32>,
      tpu.vector_store %arg7[%swap3A_381], %select_n3A_378 {strides = array<i32>} : memref<16384xi32, #tpu.memory_space<vmem>>, vector<16xi32>,
      %add3A_383 = arith.constant 112 : i32
      %add3A_384 = arith.addi %add3A_313, %add3A_383 : i32
      %get3A_385 = arith.index_cast %add3A_384 : i32 to index
      %get3A_386 = tpu.vector_load %arg4[%get3A_385] {strides = array<i32>} : memref<32768xf32, #tpu.memory_space<vmem>>, vector<16xf32>,
      %eq3A_387 = arith.cmpf oeq, %get3A_386, %gather3A : vector<16xf32>
      %select_n3A_388 = arith.select %eq3A_387, %broadcast_in_dim3A_5, %broadcast_in_dim3A_7 : vector<16xi1>, vector<16xi32>
      %add3A_389 = arith.constant 112 : i32
      %add3A_390 = arith.addi %mul3A_315, %add3A_389 : i32
      %swap3A_391 = arith.index_cast %add3A_390 : i32 to index
      %swap3A_392 = tpu.vector_load %arg7[%swap3A_391] {strides = array<i32>} : memref<16384xi32, #tpu.memory_space<vmem>>, vector<16xi32>,
      tpu.vector_store %arg7[%swap3A_391], %select_n3A_388 {strides = array<i32>} : memref<16384xi32, #tpu.memory_space<vmem>>, vector<16xi32>,
    }
    %scan3A_64 = arith.constant 128 : i32
    %add3A_65 = arith.constant 0 : i32
    %add3A_66 = arith.addi %mul3A_2, %add3A_65 : i32
    %dma_start3A_67 = arith.constant 16384 : i32
    %dma_start3A_68 = tpu.memref_slice %arg3[%add3A_66, %dma_start3A_67] : memref<128x32768xi32, #tpu.memory_space<hbm>> -> memref<1x16384xi32, #tpu.memory_space<hbm>>
    %dma_start3A_69 = tpu.memref_squeeze %dma_start3A_68 : memref<1x16384xi32, #tpu.memory_space<hbm>> -> memref<16384xi32, #tpu.memory_space<hbm>>
    %dma_start3A_70 = arith.constant 16384 : i32
    %dma_start3A_71 = tpu.memref_slice %arg3[%add3A_66, %dma_start3A_70] : memref<128x32768xi32, #tpu.memory_space<hbm>> -> memref<1x16384xi32, #tpu.memory_space<hbm>>
    %dma_start3A_72 = tpu.memref_squeeze %dma_start3A_71 : memref<1x16384xi32, #tpu.memory_space<hbm>> -> memref<16384xi32, #tpu.memory_space<hbm>>
    tpu.enqueue_dma source(%arg7 : memref<16384xi32, #tpu.memory_space<vmem>>) target(%dma_start3A_72 : memref<16384xi32, #tpu.memory_space<hbm>>) target_semaphore(%arg12 : memref<!tpu.dma_semaphore, #tpu.memory_space<semaphore_mem>>)
    %dma_wait3A_73 = arith.constant 0 : i32
    %dma_wait3A_74 = tpu.memref_slice %arg2[%add3A_21, %dma_wait3A_73] : memref<128x32768xf32, #tpu.memory_space<hbm>> -> memref<1x32768xf32, #tpu.memory_space<hbm>>
    %dma_wait3A_75 = tpu.memref_squeeze %dma_wait3A_74 : memref<1x32768xf32, #tpu.memory_space<hbm>> -> memref<32768xf32, #tpu.memory_space<hbm>>
    %dma_wait3A_76 = arith.constant 0 : i32
    %dma_wait3A_77 = tpu.memref_slice %arg2[%add3A_21, %dma_wait3A_76] : memref<128x32768xf32, #tpu.memory_space<hbm>> -> memref<1x32768xf32, #tpu.memory_space<hbm>>
    %dma_wait3A_78 = tpu.memref_squeeze %dma_wait3A_77 : memref<1x32768xf32, #tpu.memory_space<hbm>> -> memref<32768xf32, #tpu.memory_space<hbm>>
    tpu.wait_dma2 semaphore(%arg10 : memref<!tpu.dma_semaphore, #tpu.memory_space<semaphore_mem>>) src(%dma_wait3A_78 : memref<32768xf32, #tpu.memory_space<hbm>>) dst(%arg5 : memref<32768xf32, #tpu.memory_space<vmem>>)
    %add3A_79 = arith.constant 1 : i32
    %add3A_80 = arith.addi %mul3A_2, %add3A_79 : i32
    %add3A_81 = arith.constant 1 : i32
    %add3A_82 = arith.addi %add3A_80, %add3A_81 : i32
    %dma_start3A_83 = arith.constant 0 : i32
    %dma_start3A_84 = tpu.memref_slice %arg2[%add3A_82, %dma_start3A_83] : memref<128x32768xf32, #tpu.memory_space<hbm>> -> memref<1x32768xf32, #tpu.memory_space<hbm>>
    %dma_start3A_85 = tpu.memref_squeeze %dma_start3A_84 : memref<1x32768xf32, #tpu.memory_space<hbm>> -> memref<32768xf32, #tpu.memory_space<hbm>>
    %dma_start3A_86 = arith.constant 0 : i32
    %dma_start3A_87 = tpu.memref_slice %arg2[%add3A_82, %dma_start3A_86] : memref<128x32768xf32, #tpu.memory_space<hbm>> -> memref<1x32768xf32, #tpu.memory_space<hbm>>
    %dma_start3A_88 = tpu.memref_squeeze %dma_start3A_87 : memref<1x32768xf32, #tpu.memory_space<hbm>> -> memref<32768xf32, #tpu.memory_space<hbm>>
    tpu.enqueue_dma source(%dma_start3A_88 : memref<32768xf32, #tpu.memory_space<hbm>>) target(%arg4 : memref<32768xf32, #tpu.memory_space<vmem>>) target_semaphore(%arg9 : memref<!tpu.dma_semaphore, #tpu.memory_space<semaphore_mem>>)
    %scan3A_89 = arith.constant 0 : i32
    %scan3A_90 = arith.constant 256 : i32
    %scan3A_91 = arith.addi %scan3A_89, %scan3A_90 : i32
    %scan3A_92 = arith.constant 1 : i32
    %scan3A_93:8 = scf.for %scan3A_309 = %scan3A_89 to %scan3A_91 step %scan3A_92 iter_args(%scan3A_310 = %broadcast_in_dim3A_3, %scan3A_311 = %broadcast_in_dim3A_3, %scan3A_312 = %broadcast_in_dim3A_3, %scan3A_313 = %broadcast_in_dim3A_3, %scan3A_314 = %broadcast_in_dim3A_3, %scan3A_315 = %broadcast_in_dim3A_3, %scan3A_316 = %broadcast_in_dim3A_3, %scan3A_317 = %broadcast_in_dim3A_3) -> (vector<16xf32>, vector<16xf32>, vector<16xf32>, vector<16xf32>, vector<16xf32>, vector<16xf32>, vector<16xf32>, vector<16xf32>)  : i32 {
      %mul3A_318 = arith.constant 128 : i32
      %mul3A_319 = arith.muli %scan3A_309, %mul3A_318 : i32
      %add3A_320 = arith.constant 0 : i32
      %add3A_321 = arith.addi %mul3A_319, %add3A_320 : i32
      %get3A = arith.index_cast %add3A_321 : i32 to index
      %get3A_322 = tpu.vector_load %arg5[%get3A] {strides = array<i32>} : memref<32768xf32, #tpu.memory_space<vmem>>, vector<16xf32>,
      %max3A_323 = arith.maximumf %scan3A_310, %get3A_322 : vector<16xf32>
      %add3A_324 = arith.constant 16 : i32
      %add3A_325 = arith.addi %mul3A_319, %add3A_324 : i32
      %get3A_326 = arith.index_cast %add3A_325 : i32 to index
      %get3A_327 = tpu.vector_load %arg5[%get3A_326] {strides = array<i32>} : memref<32768xf32, #tpu.memory_space<vmem>>, vector<16xf32>,
      %max3A_328 = arith.maximumf %scan3A_311, %get3A_327 : vector<16xf32>
      %add3A_329 = arith.constant 32 : i32
      %add3A_330 = arith.addi %mul3A_319, %add3A_329 : i32
      %get3A_331 = arith.index_cast %add3A_330 : i32 to index
      %get3A_332 = tpu.vector_load %arg5[%get3A_331] {strides = array<i32>} : memref<32768xf32, #tpu.memory_space<vmem>>, vector<16xf32>,
      %max3A_333 = arith.maximumf %scan3A_312, %get3A_332 : vector<16xf32>
      %add3A_334 = arith.constant 48 : i32
      %add3A_335 = arith.addi %mul3A_319, %add3A_334 : i32
      %get3A_336 = arith.index_cast %add3A_335 : i32 to index
      %get3A_337 = tpu.vector_load %arg5[%get3A_336] {strides = array<i32>} : memref<32768xf32, #tpu.memory_space<vmem>>, vector<16xf32>,
      %max3A_338 = arith.maximumf %scan3A_313, %get3A_337 : vector<16xf32>
      %add3A_339 = arith.constant 64 : i32
      %add3A_340 = arith.addi %mul3A_319, %add3A_339 : i32
      %get3A_341 = arith.index_cast %add3A_340 : i32 to index
      %get3A_342 = tpu.vector_load %arg5[%get3A_341] {strides = array<i32>} : memref<32768xf32, #tpu.memory_space<vmem>>, vector<16xf32>,
      %max3A_343 = arith.maximumf %scan3A_314, %get3A_342 : vector<16xf32>
      %add3A_344 = arith.constant 80 : i32
      %add3A_345 = arith.addi %mul3A_319, %add3A_344 : i32
      %get3A_346 = arith.index_cast %add3A_345 : i32 to index
      %get3A_347 = tpu.vector_load %arg5[%get3A_346] {strides = array<i32>} : memref<32768xf32, #tpu.memory_space<vmem>>, vector<16xf32>,
      %max3A_348 = arith.maximumf %scan3A_315, %get3A_347 : vector<16xf32>
      %add3A_349 = arith.constant 96 : i32
      %add3A_350 = arith.addi %mul3A_319, %add3A_349 : i32
      %get3A_351 = arith.index_cast %add3A_350 : i32 to index
      %get3A_352 = tpu.vector_load %arg5[%get3A_351] {strides = array<i32>} : memref<32768xf32, #tpu.memory_space<vmem>>, vector<16xf32>,
      %max3A_353 = arith.maximumf %scan3A_316, %get3A_352 : vector<16xf32>
      %add3A_354 = arith.constant 112 : i32
      %add3A_355 = arith.addi %mul3A_319, %add3A_354 : i32
      %get3A_356 = arith.index_cast %add3A_355 : i32 to index
      %get3A_357 = tpu.vector_load %arg5[%get3A_356] {strides = array<i32>} : memref<32768xf32, #tpu.memory_space<vmem>>, vector<16xf32>,
      %max3A_358 = arith.maximumf %scan3A_317, %get3A_357 : vector<16xf32>
      scf.yield %max3A_323, %max3A_328, %max3A_333, %max3A_338, %max3A_343, %max3A_348, %max3A_353, %max3A_358 : vector<16xf32>, vector<16xf32>, vector<16xf32>, vector<16xf32>, vector<16xf32>, vector<16xf32>, vector<16xf32>, vector<16xf32>
    }
    %scan3A_94 = arith.constant 256 : i32
    %max3A_95 = arith.maximumf %scan3A_93#0, %scan3A_93#1 : vector<16xf32>
    %max3A_96 = arith.maximumf %max3A_95, %scan3A_93#2 : vector<16xf32>
    %max3A_97 = arith.maximumf %max3A_96, %scan3A_93#3 : vector<16xf32>
    %max3A_98 = arith.maximumf %max3A_97, %scan3A_93#4 : vector<16xf32>
    %max3A_99 = arith.maximumf %max3A_98, %scan3A_93#5 : vector<16xf32>
    %max3A_100 = arith.maximumf %max3A_99, %scan3A_93#6 : vector<16xf32>
    %max3A_101 = arith.maximumf %max3A_100, %scan3A_93#7 : vector<16xf32>
    %masked_sort3A_102 = arith.constant dense<true> : vector<16xi1>
    %masked_sort3A_103, %masked_sort3A_104, %masked_sort3A_105 = tpu.sort %max3A_101, %max3A_101 masked %masked_sort3A_102 : (vector<16xf32>, vector<16xf32>, vector<16xi1>) -> (vector<16xi1>, vector<16xf32>, vector<16xf32>)
    %swap3A_106 = arith.constant 0 : index
    %swap3A_107 = tpu.vector_load %arg8[%swap3A_106] {strides = array<i32>} : memref<16xf32, #tpu.memory_space<vmem>>, vector<16xf32>,
    tpu.vector_store %arg8[%swap3A_106], %masked_sort3A_104 {strides = array<i32>} : memref<16xf32, #tpu.memory_space<vmem>>, vector<16xf32>,
    %broadcast_in_dim3A_108 = arith.constant 15 : i32
    %broadcast_in_dim3A_109 = vector.broadcast %broadcast_in_dim3A_108 : i32 to vector<16xi32>
    %gather3A_110 = tpu.vector_load_idx %arg8[%broadcast_in_dim3A_109] : memref<16xf32, #tpu.memory_space<vmem>>[vector<16xi32>], vector<16xf32>,
    %dma_wait3A_111 = arith.constant 0 : i32
    %dma_wait3A_112 = tpu.memref_slice %arg3[%add3A_52, %dma_wait3A_111] : memref<128x32768xi32, #tpu.memory_space<hbm>> -> memref<1x16384xi32, #tpu.memory_space<hbm>>
    %dma_wait3A_113 = tpu.memref_squeeze %dma_wait3A_112 : memref<1x16384xi32, #tpu.memory_space<hbm>> -> memref<16384xi32, #tpu.memory_space<hbm>>
    %dma_wait3A_114 = arith.constant 0 : i32
    %dma_wait3A_115 = tpu.memref_slice %arg3[%add3A_52, %dma_wait3A_114] : memref<128x32768xi32, #tpu.memory_space<hbm>> -> memref<1x16384xi32, #tpu.memory_space<hbm>>
    %dma_wait3A_116 = tpu.memref_squeeze %dma_wait3A_115 : memref<1x16384xi32, #tpu.memory_space<hbm>> -> memref<16384xi32, #tpu.memory_space<hbm>>
    tpu.wait_dma2 semaphore(%arg11 : memref<!tpu.dma_semaphore, #tpu.memory_space<semaphore_mem>>) src(%arg6 : memref<16384xi32, #tpu.memory_space<vmem>>) dst(%dma_wait3A_116 : memref<16384xi32, #tpu.memory_space<hbm>>)
    %scan3A_117 = arith.constant 0 : i32
    %scan3A_118 = arith.constant 0 : i32
    %scan3A_119 = arith.constant 128 : i32
    %scan3A_120 = arith.addi %scan3A_118, %scan3A_119 : i32
    %scan3A_121 = arith.constant 1 : i32
    scf.for %scan3A_309 = %scan3A_118 to %scan3A_120 step %scan3A_121  : i32 {
      %mul3A_310 = arith.constant 128 : i32
      %mul3A_311 = arith.muli %scan3A_309, %mul3A_310 : i32
      %add3A_312 = arith.constant 0 : i32
      %add3A_313 = arith.addi %add3A_312, %mul3A_311 : i32
      %mul3A_314 = arith.constant 128 : i32
      %mul3A_315 = arith.muli %scan3A_309, %mul3A_314 : i32
      %add3A_316 = arith.constant 0 : i32
      %add3A_317 = arith.addi %add3A_313, %add3A_316 : i32
      %get3A = arith.index_cast %add3A_317 : i32 to index
      %get3A_318 = tpu.vector_load %arg5[%get3A] {strides = array<i32>} : memref<32768xf32, #tpu.memory_space<vmem>>, vector<16xf32>,
      %eq3A = arith.cmpf oeq, %get3A_318, %gather3A_110 : vector<16xf32>
      %select_n3A = arith.select %eq3A, %broadcast_in_dim3A_5, %broadcast_in_dim3A_7 : vector<16xi1>, vector<16xi32>
      %add3A_319 = arith.constant 0 : i32
      %add3A_320 = arith.addi %mul3A_315, %add3A_319 : i32
      %swap3A_321 = arith.index_cast %add3A_320 : i32 to index
      %swap3A_322 = tpu.vector_load %arg6[%swap3A_321] {strides = array<i32>} : memref<16384xi32, #tpu.memory_space<vmem>>, vector<16xi32>,
      tpu.vector_store %arg6[%swap3A_321], %select_n3A {strides = array<i32>} : memref<16384xi32, #tpu.memory_space<vmem>>, vector<16xi32>,
      %add3A_323 = arith.constant 16 : i32
      %add3A_324 = arith.addi %add3A_313, %add3A_323 : i32
      %get3A_325 = arith.index_cast %add3A_324 : i32 to index
      %get3A_326 = tpu.vector_load %arg5[%get3A_325] {strides = array<i32>} : memref<32768xf32, #tpu.memory_space<vmem>>, vector<16xf32>,
      %eq3A_327 = arith.cmpf oeq, %get3A_326, %gather3A_110 : vector<16xf32>
      %select_n3A_328 = arith.select %eq3A_327, %broadcast_in_dim3A_5, %broadcast_in_dim3A_7 : vector<16xi1>, vector<16xi32>
      %add3A_329 = arith.constant 16 : i32
      %add3A_330 = arith.addi %mul3A_315, %add3A_329 : i32
      %swap3A_331 = arith.index_cast %add3A_330 : i32 to index
      %swap3A_332 = tpu.vector_load %arg6[%swap3A_331] {strides = array<i32>} : memref<16384xi32, #tpu.memory_space<vmem>>, vector<16xi32>,
      tpu.vector_store %arg6[%swap3A_331], %select_n3A_328 {strides = array<i32>} : memref<16384xi32, #tpu.memory_space<vmem>>, vector<16xi32>,
      %add3A_333 = arith.constant 32 : i32
      %add3A_334 = arith.addi %add3A_313, %add3A_333 : i32
      %get3A_335 = arith.index_cast %add3A_334 : i32 to index
      %get3A_336 = tpu.vector_load %arg5[%get3A_335] {strides = array<i32>} : memref<32768xf32, #tpu.memory_space<vmem>>, vector<16xf32>,
      %eq3A_337 = arith.cmpf oeq, %get3A_336, %gather3A_110 : vector<16xf32>
      %select_n3A_338 = arith.select %eq3A_337, %broadcast_in_dim3A_5, %broadcast_in_dim3A_7 : vector<16xi1>, vector<16xi32>
      %add3A_339 = arith.constant 32 : i32
      %add3A_340 = arith.addi %mul3A_315, %add3A_339 : i32
      %swap3A_341 = arith.index_cast %add3A_340 : i32 to index
      %swap3A_342 = tpu.vector_load %arg6[%swap3A_341] {strides = array<i32>} : memref<16384xi32, #tpu.memory_space<vmem>>, vector<16xi32>,
      tpu.vector_store %arg6[%swap3A_341], %select_n3A_338 {strides = array<i32>} : memref<16384xi32, #tpu.memory_space<vmem>>, vector<16xi32>,
      %add3A_343 = arith.constant 48 : i32
      %add3A_344 = arith.addi %add3A_313, %add3A_343 : i32
      %get3A_345 = arith.index_cast %add3A_344 : i32 to index
      %get3A_346 = tpu.vector_load %arg5[%get3A_345] {strides = array<i32>} : memref<32768xf32, #tpu.memory_space<vmem>>, vector<16xf32>,
      %eq3A_347 = arith.cmpf oeq, %get3A_346, %gather3A_110 : vector<16xf32>
      %select_n3A_348 = arith.select %eq3A_347, %broadcast_in_dim3A_5, %broadcast_in_dim3A_7 : vector<16xi1>, vector<16xi32>
      %add3A_349 = arith.constant 48 : i32
      %add3A_350 = arith.addi %mul3A_315, %add3A_349 : i32
      %swap3A_351 = arith.index_cast %add3A_350 : i32 to index
      %swap3A_352 = tpu.vector_load %arg6[%swap3A_351] {strides = array<i32>} : memref<16384xi32, #tpu.memory_space<vmem>>, vector<16xi32>,
      tpu.vector_store %arg6[%swap3A_351], %select_n3A_348 {strides = array<i32>} : memref<16384xi32, #tpu.memory_space<vmem>>, vector<16xi32>,
      %add3A_353 = arith.constant 64 : i32
      %add3A_354 = arith.addi %add3A_313, %add3A_353 : i32
      %get3A_355 = arith.index_cast %add3A_354 : i32 to index
      %get3A_356 = tpu.vector_load %arg5[%get3A_355] {strides = array<i32>} : memref<32768xf32, #tpu.memory_space<vmem>>, vector<16xf32>,
      %eq3A_357 = arith.cmpf oeq, %get3A_356, %gather3A_110 : vector<16xf32>
      %select_n3A_358 = arith.select %eq3A_357, %broadcast_in_dim3A_5, %broadcast_in_dim3A_7 : vector<16xi1>, vector<16xi32>
      %add3A_359 = arith.constant 64 : i32
      %add3A_360 = arith.addi %mul3A_315, %add3A_359 : i32
      %swap3A_361 = arith.index_cast %add3A_360 : i32 to index
      %swap3A_362 = tpu.vector_load %arg6[%swap3A_361] {strides = array<i32>} : memref<16384xi32, #tpu.memory_space<vmem>>, vector<16xi32>,
      tpu.vector_store %arg6[%swap3A_361], %select_n3A_358 {strides = array<i32>} : memref<16384xi32, #tpu.memory_space<vmem>>, vector<16xi32>,
      %add3A_363 = arith.constant 80 : i32
      %add3A_364 = arith.addi %add3A_313, %add3A_363 : i32
      %get3A_365 = arith.index_cast %add3A_364 : i32 to index
      %get3A_366 = tpu.vector_load %arg5[%get3A_365] {strides = array<i32>} : memref<32768xf32, #tpu.memory_space<vmem>>, vector<16xf32>,
      %eq3A_367 = arith.cmpf oeq, %get3A_366, %gather3A_110 : vector<16xf32>
      %select_n3A_368 = arith.select %eq3A_367, %broadcast_in_dim3A_5, %broadcast_in_dim3A_7 : vector<16xi1>, vector<16xi32>
      %add3A_369 = arith.constant 80 : i32
      %add3A_370 = arith.addi %mul3A_315, %add3A_369 : i32
      %swap3A_371 = arith.index_cast %add3A_370 : i32 to index
      %swap3A_372 = tpu.vector_load %arg6[%swap3A_371] {strides = array<i32>} : memref<16384xi32, #tpu.memory_space<vmem>>, vector<16xi32>,
      tpu.vector_store %arg6[%swap3A_371], %select_n3A_368 {strides = array<i32>} : memref<16384xi32, #tpu.memory_space<vmem>>, vector<16xi32>,
      %add3A_373 = arith.constant 96 : i32
      %add3A_374 = arith.addi %add3A_313, %add3A_373 : i32
      %get3A_375 = arith.index_cast %add3A_374 : i32 to index
      %get3A_376 = tpu.vector_load %arg5[%get3A_375] {strides = array<i32>} : memref<32768xf32, #tpu.memory_space<vmem>>, vector<16xf32>,
      %eq3A_377 = arith.cmpf oeq, %get3A_376, %gather3A_110 : vector<16xf32>
      %select_n3A_378 = arith.select %eq3A_377, %broadcast_in_dim3A_5, %broadcast_in_dim3A_7 : vector<16xi1>, vector<16xi32>
      %add3A_379 = arith.constant 96 : i32
      %add3A_380 = arith.addi %mul3A_315, %add3A_379 : i32
      %swap3A_381 = arith.index_cast %add3A_380 : i32 to index
      %swap3A_382 = tpu.vector_load %arg6[%swap3A_381] {strides = array<i32>} : memref<16384xi32, #tpu.memory_space<vmem>>, vector<16xi32>,
      tpu.vector_store %arg6[%swap3A_381], %select_n3A_378 {strides = array<i32>} : memref<16384xi32, #tpu.memory_space<vmem>>, vector<16xi32>,
      %add3A_383 = arith.constant 112 : i32
      %add3A_384 = arith.addi %add3A_313, %add3A_383 : i32
      %get3A_385 = arith.index_cast %add3A_384 : i32 to index
      %get3A_386 = tpu.vector_load %arg5[%get3A_385] {strides = array<i32>} : memref<32768xf32, #tpu.memory_space<vmem>>, vector<16xf32>,
      %eq3A_387 = arith.cmpf oeq, %get3A_386, %gather3A_110 : vector<16xf32>
      %select_n3A_388 = arith.select %eq3A_387, %broadcast_in_dim3A_5, %broadcast_in_dim3A_7 : vector<16xi1>, vector<16xi32>
      %add3A_389 = arith.constant 112 : i32
      %add3A_390 = arith.addi %mul3A_315, %add3A_389 : i32
      %swap3A_391 = arith.index_cast %add3A_390 : i32 to index
      %swap3A_392 = tpu.vector_load %arg6[%swap3A_391] {strides = array<i32>} : memref<16384xi32, #tpu.memory_space<vmem>>, vector<16xi32>,
      tpu.vector_store %arg6[%swap3A_391], %select_n3A_388 {strides = array<i32>} : memref<16384xi32, #tpu.memory_space<vmem>>, vector<16xi32>,
    }
    %scan3A_122 = arith.constant 128 : i32
    %add3A_123 = arith.constant 1 : i32
    %add3A_124 = arith.addi %mul3A_2, %add3A_123 : i32
    %dma_start3A_125 = arith.constant 0 : i32
    %dma_start3A_126 = tpu.memref_slice %arg3[%add3A_124, %dma_start3A_125] : memref<128x32768xi32, #tpu.memory_space<hbm>> -> memref<1x16384xi32, #tpu.memory_space<hbm>>
    %dma_start3A_127 = tpu.memref_squeeze %dma_start3A_126 : memref<1x16384xi32, #tpu.memory_space<hbm>> -> memref<16384xi32, #tpu.memory_space<hbm>>
    %dma_start3A_128 = arith.constant 0 : i32
    %dma_start3A_129 = tpu.memref_slice %arg3[%add3A_124, %dma_start3A_128] : memref<128x32768xi32, #tpu.memory_space<hbm>> -> memref<1x16384xi32, #tpu.memory_space<hbm>>
    %dma_start3A_130 = tpu.memref_squeeze %dma_start3A_129 : memref<1x16384xi32, #tpu.memory_space<hbm>> -> memref<16384xi32, #tpu.memory_space<hbm>>
    tpu.enqueue_dma source(%arg6 : memref<16384xi32, #tpu.memory_space<vmem>>) target(%dma_start3A_130 : memref<16384xi32, #tpu.memory_space<hbm>>) target_semaphore(%arg11 : memref<!tpu.dma_semaphore, #tpu.memory_space<semaphore_mem>>)
    %dma_wait3A_131 = arith.constant 16384 : i32
    %dma_wait3A_132 = tpu.memref_slice %arg3[%add3A_66, %dma_wait3A_131] : memref<128x32768xi32, #tpu.memory_space<hbm>> -> memref<1x16384xi32, #tpu.memory_space<hbm>>
    %dma_wait3A_133 = tpu.memref_squeeze %dma_wait3A_132 : memref<1x16384xi32, #tpu.memory_space<hbm>> -> memref<16384xi32, #tpu.memory_space<hbm>>
    %dma_wait3A_134 = arith.constant 16384 : i32
    %dma_wait3A_135 = tpu.memref_slice %arg3[%add3A_66, %dma_wait3A_134] : memref<128x32768xi32, #tpu.memory_space<hbm>> -> memref<1x16384xi32, #tpu.memory_space<hbm>>
    %dma_wait3A_136 = tpu.memref_squeeze %dma_wait3A_135 : memref<1x16384xi32, #tpu.memory_space<hbm>> -> memref<16384xi32, #tpu.memory_space<hbm>>
    tpu.wait_dma2 semaphore(%arg12 : memref<!tpu.dma_semaphore, #tpu.memory_space<semaphore_mem>>) src(%arg7 : memref<16384xi32, #tpu.memory_space<vmem>>) dst(%dma_wait3A_136 : memref<16384xi32, #tpu.memory_space<hbm>>)
    %scan3A_137 = arith.constant 0 : i32
    %scan3A_138 = arith.constant 0 : i32
    %scan3A_139 = arith.constant 128 : i32
    %scan3A_140 = arith.addi %scan3A_138, %scan3A_139 : i32
    %scan3A_141 = arith.constant 1 : i32
    scf.for %scan3A_309 = %scan3A_138 to %scan3A_140 step %scan3A_141  : i32 {
      %mul3A_310 = arith.constant 128 : i32
      %mul3A_311 = arith.muli %scan3A_309, %mul3A_310 : i32
      %add3A_312 = arith.constant 16384 : i32
      %add3A_313 = arith.addi %add3A_312, %mul3A_311 : i32
      %mul3A_314 = arith.constant 128 : i32
      %mul3A_315 = arith.muli %scan3A_309, %mul3A_314 : i32
      %add3A_316 = arith.constant 0 : i32
      %add3A_317 = arith.addi %add3A_313, %add3A_316 : i32
      %get3A = arith.index_cast %add3A_317 : i32 to index
      %get3A_318 = tpu.vector_load %arg5[%get3A] {strides = array<i32>} : memref<32768xf32, #tpu.memory_space<vmem>>, vector<16xf32>,
      %eq3A = arith.cmpf oeq, %get3A_318, %gather3A_110 : vector<16xf32>
      %select_n3A = arith.select %eq3A, %broadcast_in_dim3A_5, %broadcast_in_dim3A_7 : vector<16xi1>, vector<16xi32>
      %add3A_319 = arith.constant 0 : i32
      %add3A_320 = arith.addi %mul3A_315, %add3A_319 : i32
      %swap3A_321 = arith.index_cast %add3A_320 : i32 to index
      %swap3A_322 = tpu.vector_load %arg7[%swap3A_321] {strides = array<i32>} : memref<16384xi32, #tpu.memory_space<vmem>>, vector<16xi32>,
      tpu.vector_store %arg7[%swap3A_321], %select_n3A {strides = array<i32>} : memref<16384xi32, #tpu.memory_space<vmem>>, vector<16xi32>,
      %add3A_323 = arith.constant 16 : i32
      %add3A_324 = arith.addi %add3A_313, %add3A_323 : i32
      %get3A_325 = arith.index_cast %add3A_324 : i32 to index
      %get3A_326 = tpu.vector_load %arg5[%get3A_325] {strides = array<i32>} : memref<32768xf32, #tpu.memory_space<vmem>>, vector<16xf32>,
      %eq3A_327 = arith.cmpf oeq, %get3A_326, %gather3A_110 : vector<16xf32>
      %select_n3A_328 = arith.select %eq3A_327, %broadcast_in_dim3A_5, %broadcast_in_dim3A_7 : vector<16xi1>, vector<16xi32>
      %add3A_329 = arith.constant 16 : i32
      %add3A_330 = arith.addi %mul3A_315, %add3A_329 : i32
      %swap3A_331 = arith.index_cast %add3A_330 : i32 to index
      %swap3A_332 = tpu.vector_load %arg7[%swap3A_331] {strides = array<i32>} : memref<16384xi32, #tpu.memory_space<vmem>>, vector<16xi32>,
      tpu.vector_store %arg7[%swap3A_331], %select_n3A_328 {strides = array<i32>} : memref<16384xi32, #tpu.memory_space<vmem>>, vector<16xi32>,
      %add3A_333 = arith.constant 32 : i32
      %add3A_334 = arith.addi %add3A_313, %add3A_333 : i32
      %get3A_335 = arith.index_cast %add3A_334 : i32 to index
      %get3A_336 = tpu.vector_load %arg5[%get3A_335] {strides = array<i32>} : memref<32768xf32, #tpu.memory_space<vmem>>, vector<16xf32>,
      %eq3A_337 = arith.cmpf oeq, %get3A_336, %gather3A_110 : vector<16xf32>
      %select_n3A_338 = arith.select %eq3A_337, %broadcast_in_dim3A_5, %broadcast_in_dim3A_7 : vector<16xi1>, vector<16xi32>
      %add3A_339 = arith.constant 32 : i32
      %add3A_340 = arith.addi %mul3A_315, %add3A_339 : i32
      %swap3A_341 = arith.index_cast %add3A_340 : i32 to index
      %swap3A_342 = tpu.vector_load %arg7[%swap3A_341] {strides = array<i32>} : memref<16384xi32, #tpu.memory_space<vmem>>, vector<16xi32>,
      tpu.vector_store %arg7[%swap3A_341], %select_n3A_338 {strides = array<i32>} : memref<16384xi32, #tpu.memory_space<vmem>>, vector<16xi32>,
      %add3A_343 = arith.constant 48 : i32
      %add3A_344 = arith.addi %add3A_313, %add3A_343 : i32
      %get3A_345 = arith.index_cast %add3A_344 : i32 to index
      %get3A_346 = tpu.vector_load %arg5[%get3A_345] {strides = array<i32>} : memref<32768xf32, #tpu.memory_space<vmem>>, vector<16xf32>,
      %eq3A_347 = arith.cmpf oeq, %get3A_346, %gather3A_110 : vector<16xf32>
      %select_n3A_348 = arith.select %eq3A_347, %broadcast_in_dim3A_5, %broadcast_in_dim3A_7 : vector<16xi1>, vector<16xi32>
      %add3A_349 = arith.constant 48 : i32
      %add3A_350 = arith.addi %mul3A_315, %add3A_349 : i32
      %swap3A_351 = arith.index_cast %add3A_350 : i32 to index
      %swap3A_352 = tpu.vector_load %arg7[%swap3A_351] {strides = array<i32>} : memref<16384xi32, #tpu.memory_space<vmem>>, vector<16xi32>,
      tpu.vector_store %arg7[%swap3A_351], %select_n3A_348 {strides = array<i32>} : memref<16384xi32, #tpu.memory_space<vmem>>, vector<16xi32>,
      %add3A_353 = arith.constant 64 : i32
      %add3A_354 = arith.addi %add3A_313, %add3A_353 : i32
      %get3A_355 = arith.index_cast %add3A_354 : i32 to index
      %get3A_356 = tpu.vector_load %arg5[%get3A_355] {strides = array<i32>} : memref<32768xf32, #tpu.memory_space<vmem>>, vector<16xf32>,
      %eq3A_357 = arith.cmpf oeq, %get3A_356, %gather3A_110 : vector<16xf32>
      %select_n3A_358 = arith.select %eq3A_357, %broadcast_in_dim3A_5, %broadcast_in_dim3A_7 : vector<16xi1>, vector<16xi32>
      %add3A_359 = arith.constant 64 : i32
      %add3A_360 = arith.addi %mul3A_315, %add3A_359 : i32
      %swap3A_361 = arith.index_cast %add3A_360 : i32 to index
      %swap3A_362 = tpu.vector_load %arg7[%swap3A_361] {strides = array<i32>} : memref<16384xi32, #tpu.memory_space<vmem>>, vector<16xi32>,
      tpu.vector_store %arg7[%swap3A_361], %select_n3A_358 {strides = array<i32>} : memref<16384xi32, #tpu.memory_space<vmem>>, vector<16xi32>,
      %add3A_363 = arith.constant 80 : i32
      %add3A_364 = arith.addi %add3A_313, %add3A_363 : i32
      %get3A_365 = arith.index_cast %add3A_364 : i32 to index
      %get3A_366 = tpu.vector_load %arg5[%get3A_365] {strides = array<i32>} : memref<32768xf32, #tpu.memory_space<vmem>>, vector<16xf32>,
      %eq3A_367 = arith.cmpf oeq, %get3A_366, %gather3A_110 : vector<16xf32>
      %select_n3A_368 = arith.select %eq3A_367, %broadcast_in_dim3A_5, %broadcast_in_dim3A_7 : vector<16xi1>, vector<16xi32>
      %add3A_369 = arith.constant 80 : i32
      %add3A_370 = arith.addi %mul3A_315, %add3A_369 : i32
      %swap3A_371 = arith.index_cast %add3A_370 : i32 to index
      %swap3A_372 = tpu.vector_load %arg7[%swap3A_371] {strides = array<i32>} : memref<16384xi32, #tpu.memory_space<vmem>>, vector<16xi32>,
      tpu.vector_store %arg7[%swap3A_371], %select_n3A_368 {strides = array<i32>} : memref<16384xi32, #tpu.memory_space<vmem>>, vector<16xi32>,
      %add3A_373 = arith.constant 96 : i32
      %add3A_374 = arith.addi %add3A_313, %add3A_373 : i32
      %get3A_375 = arith.index_cast %add3A_374 : i32 to index
      %get3A_376 = tpu.vector_load %arg5[%get3A_375] {strides = array<i32>} : memref<32768xf32, #tpu.memory_space<vmem>>, vector<16xf32>,
      %eq3A_377 = arith.cmpf oeq, %get3A_376, %gather3A_110 : vector<16xf32>
      %select_n3A_378 = arith.select %eq3A_377, %broadcast_in_dim3A_5, %broadcast_in_dim3A_7 : vector<16xi1>, vector<16xi32>
      %add3A_379 = arith.constant 96 : i32
      %add3A_380 = arith.addi %mul3A_315, %add3A_379 : i32
      %swap3A_381 = arith.index_cast %add3A_380 : i32 to index
      %swap3A_382 = tpu.vector_load %arg7[%swap3A_381] {strides = array<i32>} : memref<16384xi32, #tpu.memory_space<vmem>>, vector<16xi32>,
      tpu.vector_store %arg7[%swap3A_381], %select_n3A_378 {strides = array<i32>} : memref<16384xi32, #tpu.memory_space<vmem>>, vector<16xi32>,
      %add3A_383 = arith.constant 112 : i32
      %add3A_384 = arith.addi %add3A_313, %add3A_383 : i32
      %get3A_385 = arith.index_cast %add3A_384 : i32 to index
      %get3A_386 = tpu.vector_load %arg5[%get3A_385] {strides = array<i32>} : memref<32768xf32, #tpu.memory_space<vmem>>, vector<16xf32>,
      %eq3A_387 = arith.cmpf oeq, %get3A_386, %gather3A_110 : vector<16xf32>
      %select_n3A_388 = arith.select %eq3A_387, %broadcast_in_dim3A_5, %broadcast_in_dim3A_7 : vector<16xi1>, vector<16xi32>
      %add3A_389 = arith.constant 112 : i32
      %add3A_390 = arith.addi %mul3A_315, %add3A_389 : i32
      %swap3A_391 = arith.index_cast %add3A_390 : i32 to index
      %swap3A_392 = tpu.vector_load %arg7[%swap3A_391] {strides = array<i32>} : memref<16384xi32, #tpu.memory_space<vmem>>, vector<16xi32>,
      tpu.vector_store %arg7[%swap3A_391], %select_n3A_388 {strides = array<i32>} : memref<16384xi32, #tpu.memory_space<vmem>>, vector<16xi32>,
    }
    %scan3A_142 = arith.constant 128 : i32
    %add3A_143 = arith.constant 1 : i32
    %add3A_144 = arith.addi %mul3A_2, %add3A_143 : i32
    %dma_start3A_145 = arith.constant 16384 : i32
    %dma_start3A_146 = tpu.memref_slice %arg3[%add3A_144, %dma_start3A_145] : memref<128x32768xi32, #tpu.memory_space<hbm>> -> memref<1x16384xi32, #tpu.memory_space<hbm>>
    %dma_start3A_147 = tpu.memref_squeeze %dma_start3A_146 : memref<1x16384xi32, #tpu.memory_space<hbm>> -> memref<16384xi32, #tpu.memory_space<hbm>>
    %dma_start3A_148 = arith.constant 16384 : i32
    %dma_start3A_149 = tpu.memref_slice %arg3[%add3A_144, %dma_start3A_148] : memref<128x32768xi32, #tpu.memory_space<hbm>> -> memref<1x16384xi32, #tpu.memory_space<hbm>>
    %dma_start3A_150 = tpu.memref_squeeze %dma_start3A_149 : memref<1x16384xi32, #tpu.memory_space<hbm>> -> memref<16384xi32, #tpu.memory_space<hbm>>
    tpu.enqueue_dma source(%arg7 : memref<16384xi32, #tpu.memory_space<vmem>>) target(%dma_start3A_150 : memref<16384xi32, #tpu.memory_space<hbm>>) target_semaphore(%arg12 : memref<!tpu.dma_semaphore, #tpu.memory_space<semaphore_mem>>)
    %dma_wait3A_151 = arith.constant 0 : i32
    %dma_wait3A_152 = tpu.memref_slice %arg2[%add3A_82, %dma_wait3A_151] : memref<128x32768xf32, #tpu.memory_space<hbm>> -> memref<1x32768xf32, #tpu.memory_space<hbm>>
    %dma_wait3A_153 = tpu.memref_squeeze %dma_wait3A_152 : memref<1x32768xf32, #tpu.memory_space<hbm>> -> memref<32768xf32, #tpu.memory_space<hbm>>
    %dma_wait3A_154 = arith.constant 0 : i32
    %dma_wait3A_155 = tpu.memref_slice %arg2[%add3A_82, %dma_wait3A_154] : memref<128x32768xf32, #tpu.memory_space<hbm>> -> memref<1x32768xf32, #tpu.memory_space<hbm>>
    %dma_wait3A_156 = tpu.memref_squeeze %dma_wait3A_155 : memref<1x32768xf32, #tpu.memory_space<hbm>> -> memref<32768xf32, #tpu.memory_space<hbm>>
    tpu.wait_dma2 semaphore(%arg9 : memref<!tpu.dma_semaphore, #tpu.memory_space<semaphore_mem>>) src(%dma_wait3A_156 : memref<32768xf32, #tpu.memory_space<hbm>>) dst(%arg4 : memref<32768xf32, #tpu.memory_space<vmem>>)
    %add3A_157 = arith.constant 2 : i32
    %add3A_158 = arith.addi %mul3A_2, %add3A_157 : i32
    %add3A_159 = arith.constant 1 : i32
    %add3A_160 = arith.addi %add3A_158, %add3A_159 : i32
    %dma_start3A_161 = arith.constant 0 : i32
    %dma_start3A_162 = tpu.memref_slice %arg2[%add3A_160, %dma_start3A_161] : memref<128x32768xf32, #tpu.memory_space<hbm>> -> memref<1x32768xf32, #tpu.memory_space<hbm>>
    %dma_start3A_163 = tpu.memref_squeeze %dma_start3A_162 : memref<1x32768xf32, #tpu.memory_space<hbm>> -> memref<32768xf32, #tpu.memory_space<hbm>>
    %dma_start3A_164 = arith.constant 0 : i32
    %dma_start3A_165 = tpu.memref_slice %arg2[%add3A_160, %dma_start3A_164] : memref<128x32768xf32, #tpu.memory_space<hbm>> -> memref<1x32768xf32, #tpu.memory_space<hbm>>
    %dma_start3A_166 = tpu.memref_squeeze %dma_start3A_165 : memref<1x32768xf32, #tpu.memory_space<hbm>> -> memref<32768xf32, #tpu.memory_space<hbm>>
    tpu.enqueue_dma source(%dma_start3A_166 : memref<32768xf32, #tpu.memory_space<hbm>>) target(%arg5 : memref<32768xf32, #tpu.memory_space<vmem>>) target_semaphore(%arg10 : memref<!tpu.dma_semaphore, #tpu.memory_space<semaphore_mem>>)
    %scan3A_167 = arith.constant 0 : i32
    %scan3A_168 = arith.constant 256 : i32
    %scan3A_169 = arith.addi %scan3A_167, %scan3A_168 : i32
    %scan3A_170 = arith.constant 1 : i32
    %scan3A_171:8 = scf.for %scan3A_309 = %scan3A_167 to %scan3A_169 step %scan3A_170 iter_args(%scan3A_310 = %broadcast_in_dim3A_3, %scan3A_311 = %broadcast_in_dim3A_3, %scan3A_312 = %broadcast_in_dim3A_3, %scan3A_313 = %broadcast_in_dim3A_3, %scan3A_314 = %broadcast_in_dim3A_3, %scan3A_315 = %broadcast_in_dim3A_3, %scan3A_316 = %broadcast_in_dim3A_3, %scan3A_317 = %broadcast_in_dim3A_3) -> (vector<16xf32>, vector<16xf32>, vector<16xf32>, vector<16xf32>, vector<16xf32>, vector<16xf32>, vector<16xf32>, vector<16xf32>)  : i32 {
      %mul3A_318 = arith.constant 128 : i32
      %mul3A_319 = arith.muli %scan3A_309, %mul3A_318 : i32
      %add3A_320 = arith.constant 0 : i32
      %add3A_321 = arith.addi %mul3A_319, %add3A_320 : i32
      %get3A = arith.index_cast %add3A_321 : i32 to index
      %get3A_322 = tpu.vector_load %arg4[%get3A] {strides = array<i32>} : memref<32768xf32, #tpu.memory_space<vmem>>, vector<16xf32>,
      %max3A_323 = arith.maximumf %scan3A_310, %get3A_322 : vector<16xf32>
      %add3A_324 = arith.constant 16 : i32
      %add3A_325 = arith.addi %mul3A_319, %add3A_324 : i32
      %get3A_326 = arith.index_cast %add3A_325 : i32 to index
      %get3A_327 = tpu.vector_load %arg4[%get3A_326] {strides = array<i32>} : memref<32768xf32, #tpu.memory_space<vmem>>, vector<16xf32>,
      %max3A_328 = arith.maximumf %scan3A_311, %get3A_327 : vector<16xf32>
      %add3A_329 = arith.constant 32 : i32
      %add3A_330 = arith.addi %mul3A_319, %add3A_329 : i32
      %get3A_331 = arith.index_cast %add3A_330 : i32 to index
      %get3A_332 = tpu.vector_load %arg4[%get3A_331] {strides = array<i32>} : memref<32768xf32, #tpu.memory_space<vmem>>, vector<16xf32>,
      %max3A_333 = arith.maximumf %scan3A_312, %get3A_332 : vector<16xf32>
      %add3A_334 = arith.constant 48 : i32
      %add3A_335 = arith.addi %mul3A_319, %add3A_334 : i32
      %get3A_336 = arith.index_cast %add3A_335 : i32 to index
      %get3A_337 = tpu.vector_load %arg4[%get3A_336] {strides = array<i32>} : memref<32768xf32, #tpu.memory_space<vmem>>, vector<16xf32>,
      %max3A_338 = arith.maximumf %scan3A_313, %get3A_337 : vector<16xf32>
      %add3A_339 = arith.constant 64 : i32
      %add3A_340 = arith.addi %mul3A_319, %add3A_339 : i32
      %get3A_341 = arith.index_cast %add3A_340 : i32 to index
      %get3A_342 = tpu.vector_load %arg4[%get3A_341] {strides = array<i32>} : memref<32768xf32, #tpu.memory_space<vmem>>, vector<16xf32>,
      %max3A_343 = arith.maximumf %scan3A_314, %get3A_342 : vector<16xf32>
      %add3A_344 = arith.constant 80 : i32
      %add3A_345 = arith.addi %mul3A_319, %add3A_344 : i32
      %get3A_346 = arith.index_cast %add3A_345 : i32 to index
      %get3A_347 = tpu.vector_load %arg4[%get3A_346] {strides = array<i32>} : memref<32768xf32, #tpu.memory_space<vmem>>, vector<16xf32>,
      %max3A_348 = arith.maximumf %scan3A_315, %get3A_347 : vector<16xf32>
      %add3A_349 = arith.constant 96 : i32
      %add3A_350 = arith.addi %mul3A_319, %add3A_349 : i32
      %get3A_351 = arith.index_cast %add3A_350 : i32 to index
      %get3A_352 = tpu.vector_load %arg4[%get3A_351] {strides = array<i32>} : memref<32768xf32, #tpu.memory_space<vmem>>, vector<16xf32>,
      %max3A_353 = arith.maximumf %scan3A_316, %get3A_352 : vector<16xf32>
      %add3A_354 = arith.constant 112 : i32
      %add3A_355 = arith.addi %mul3A_319, %add3A_354 : i32
      %get3A_356 = arith.index_cast %add3A_355 : i32 to index
      %get3A_357 = tpu.vector_load %arg4[%get3A_356] {strides = array<i32>} : memref<32768xf32, #tpu.memory_space<vmem>>, vector<16xf32>,
      %max3A_358 = arith.maximumf %scan3A_317, %get3A_357 : vector<16xf32>
      scf.yield %max3A_323, %max3A_328, %max3A_333, %max3A_338, %max3A_343, %max3A_348, %max3A_353, %max3A_358 : vector<16xf32>, vector<16xf32>, vector<16xf32>, vector<16xf32>, vector<16xf32>, vector<16xf32>, vector<16xf32>, vector<16xf32>
    }
    %scan3A_172 = arith.constant 256 : i32
    %max3A_173 = arith.maximumf %scan3A_171#0, %scan3A_171#1 : vector<16xf32>
    %max3A_174 = arith.maximumf %max3A_173, %scan3A_171#2 : vector<16xf32>
    %max3A_175 = arith.maximumf %max3A_174, %scan3A_171#3 : vector<16xf32>
    %max3A_176 = arith.maximumf %max3A_175, %scan3A_171#4 : vector<16xf32>
    %max3A_177 = arith.maximumf %max3A_176, %scan3A_171#5 : vector<16xf32>
    %max3A_178 = arith.maximumf %max3A_177, %scan3A_171#6 : vector<16xf32>
    %max3A_179 = arith.maximumf %max3A_178, %scan3A_171#7 : vector<16xf32>
    %masked_sort3A_180 = arith.constant dense<true> : vector<16xi1>
    %masked_sort3A_181, %masked_sort3A_182, %masked_sort3A_183 = tpu.sort %max3A_179, %max3A_179 masked %masked_sort3A_180 : (vector<16xf32>, vector<16xf32>, vector<16xi1>) -> (vector<16xi1>, vector<16xf32>, vector<16xf32>)
    %swap3A_184 = arith.constant 0 : index
    %swap3A_185 = tpu.vector_load %arg8[%swap3A_184] {strides = array<i32>} : memref<16xf32, #tpu.memory_space<vmem>>, vector<16xf32>,
    tpu.vector_store %arg8[%swap3A_184], %masked_sort3A_182 {strides = array<i32>} : memref<16xf32, #tpu.memory_space<vmem>>, vector<16xf32>,
    %broadcast_in_dim3A_186 = arith.constant 15 : i32
    %broadcast_in_dim3A_187 = vector.broadcast %broadcast_in_dim3A_186 : i32 to vector<16xi32>
    %gather3A_188 = tpu.vector_load_idx %arg8[%broadcast_in_dim3A_187] : memref<16xf32, #tpu.memory_space<vmem>>[vector<16xi32>], vector<16xf32>,
    %dma_wait3A_189 = arith.constant 0 : i32
    %dma_wait3A_190 = tpu.memref_slice %arg3[%add3A_124, %dma_wait3A_189] : memref<128x32768xi32, #tpu.memory_space<hbm>> -> memref<1x16384xi32, #tpu.memory_space<hbm>>
    %dma_wait3A_191 = tpu.memref_squeeze %dma_wait3A_190 : memref<1x16384xi32, #tpu.memory_space<hbm>> -> memref<16384xi32, #tpu.memory_space<hbm>>
    %dma_wait3A_192 = arith.constant 0 : i32
    %dma_wait3A_193 = tpu.memref_slice %arg3[%add3A_124, %dma_wait3A_192] : memref<128x32768xi32, #tpu.memory_space<hbm>> -> memref<1x16384xi32, #tpu.memory_space<hbm>>
    %dma_wait3A_194 = tpu.memref_squeeze %dma_wait3A_193 : memref<1x16384xi32, #tpu.memory_space<hbm>> -> memref<16384xi32, #tpu.memory_space<hbm>>
    tpu.wait_dma2 semaphore(%arg11 : memref<!tpu.dma_semaphore, #tpu.memory_space<semaphore_mem>>) src(%arg6 : memref<16384xi32, #tpu.memory_space<vmem>>) dst(%dma_wait3A_194 : memref<16384xi32, #tpu.memory_space<hbm>>)
    %scan3A_195 = arith.constant 0 : i32
    %scan3A_196 = arith.constant 0 : i32
    %scan3A_197 = arith.constant 128 : i32
    %scan3A_198 = arith.addi %scan3A_196, %scan3A_197 : i32
    %scan3A_199 = arith.constant 1 : i32
    scf.for %scan3A_309 = %scan3A_196 to %scan3A_198 step %scan3A_199  : i32 {
      %mul3A_310 = arith.constant 128 : i32
      %mul3A_311 = arith.muli %scan3A_309, %mul3A_310 : i32
      %add3A_312 = arith.constant 0 : i32
      %add3A_313 = arith.addi %add3A_312, %mul3A_311 : i32
      %mul3A_314 = arith.constant 128 : i32
      %mul3A_315 = arith.muli %scan3A_309, %mul3A_314 : i32
      %add3A_316 = arith.constant 0 : i32
      %add3A_317 = arith.addi %add3A_313, %add3A_316 : i32
      %get3A = arith.index_cast %add3A_317 : i32 to index
      %get3A_318 = tpu.vector_load %arg4[%get3A] {strides = array<i32>} : memref<32768xf32, #tpu.memory_space<vmem>>, vector<16xf32>,
      %eq3A = arith.cmpf oeq, %get3A_318, %gather3A_188 : vector<16xf32>
      %select_n3A = arith.select %eq3A, %broadcast_in_dim3A_5, %broadcast_in_dim3A_7 : vector<16xi1>, vector<16xi32>
      %add3A_319 = arith.constant 0 : i32
      %add3A_320 = arith.addi %mul3A_315, %add3A_319 : i32
      %swap3A_321 = arith.index_cast %add3A_320 : i32 to index
      %swap3A_322 = tpu.vector_load %arg6[%swap3A_321] {strides = array<i32>} : memref<16384xi32, #tpu.memory_space<vmem>>, vector<16xi32>,
      tpu.vector_store %arg6[%swap3A_321], %select_n3A {strides = array<i32>} : memref<16384xi32, #tpu.memory_space<vmem>>, vector<16xi32>,
      %add3A_323 = arith.constant 16 : i32
      %add3A_324 = arith.addi %add3A_313, %add3A_323 : i32
      %get3A_325 = arith.index_cast %add3A_324 : i32 to index
      %get3A_326 = tpu.vector_load %arg4[%get3A_325] {strides = array<i32>} : memref<32768xf32, #tpu.memory_space<vmem>>, vector<16xf32>,
      %eq3A_327 = arith.cmpf oeq, %get3A_326, %gather3A_188 : vector<16xf32>
      %select_n3A_328 = arith.select %eq3A_327, %broadcast_in_dim3A_5, %broadcast_in_dim3A_7 : vector<16xi1>, vector<16xi32>
      %add3A_329 = arith.constant 16 : i32
      %add3A_330 = arith.addi %mul3A_315, %add3A_329 : i32
      %swap3A_331 = arith.index_cast %add3A_330 : i32 to index
      %swap3A_332 = tpu.vector_load %arg6[%swap3A_331] {strides = array<i32>} : memref<16384xi32, #tpu.memory_space<vmem>>, vector<16xi32>,
      tpu.vector_store %arg6[%swap3A_331], %select_n3A_328 {strides = array<i32>} : memref<16384xi32, #tpu.memory_space<vmem>>, vector<16xi32>,
      %add3A_333 = arith.constant 32 : i32
      %add3A_334 = arith.addi %add3A_313, %add3A_333 : i32
      %get3A_335 = arith.index_cast %add3A_334 : i32 to index
      %get3A_336 = tpu.vector_load %arg4[%get3A_335] {strides = array<i32>} : memref<32768xf32, #tpu.memory_space<vmem>>, vector<16xf32>,
      %eq3A_337 = arith.cmpf oeq, %get3A_336, %gather3A_188 : vector<16xf32>
      %select_n3A_338 = arith.select %eq3A_337, %broadcast_in_dim3A_5, %broadcast_in_dim3A_7 : vector<16xi1>, vector<16xi32>
      %add3A_339 = arith.constant 32 : i32
      %add3A_340 = arith.addi %mul3A_315, %add3A_339 : i32
      %swap3A_341 = arith.index_cast %add3A_340 : i32 to index
      %swap3A_342 = tpu.vector_load %arg6[%swap3A_341] {strides = array<i32>} : memref<16384xi32, #tpu.memory_space<vmem>>, vector<16xi32>,
      tpu.vector_store %arg6[%swap3A_341], %select_n3A_338 {strides = array<i32>} : memref<16384xi32, #tpu.memory_space<vmem>>, vector<16xi32>,
      %add3A_343 = arith.constant 48 : i32
      %add3A_344 = arith.addi %add3A_313, %add3A_343 : i32
      %get3A_345 = arith.index_cast %add3A_344 : i32 to index
      %get3A_346 = tpu.vector_load %arg4[%get3A_345] {strides = array<i32>} : memref<32768xf32, #tpu.memory_space<vmem>>, vector<16xf32>,
      %eq3A_347 = arith.cmpf oeq, %get3A_346, %gather3A_188 : vector<16xf32>
      %select_n3A_348 = arith.select %eq3A_347, %broadcast_in_dim3A_5, %broadcast_in_dim3A_7 : vector<16xi1>, vector<16xi32>
      %add3A_349 = arith.constant 48 : i32
      %add3A_350 = arith.addi %mul3A_315, %add3A_349 : i32
      %swap3A_351 = arith.index_cast %add3A_350 : i32 to index
      %swap3A_352 = tpu.vector_load %arg6[%swap3A_351] {strides = array<i32>} : memref<16384xi32, #tpu.memory_space<vmem>>, vector<16xi32>,
      tpu.vector_store %arg6[%swap3A_351], %select_n3A_348 {strides = array<i32>} : memref<16384xi32, #tpu.memory_space<vmem>>, vector<16xi32>,
      %add3A_353 = arith.constant 64 : i32
      %add3A_354 = arith.addi %add3A_313, %add3A_353 : i32
      %get3A_355 = arith.index_cast %add3A_354 : i32 to index
      %get3A_356 = tpu.vector_load %arg4[%get3A_355] {strides = array<i32>} : memref<32768xf32, #tpu.memory_space<vmem>>, vector<16xf32>,
      %eq3A_357 = arith.cmpf oeq, %get3A_356, %gather3A_188 : vector<16xf32>
      %select_n3A_358 = arith.select %eq3A_357, %broadcast_in_dim3A_5, %broadcast_in_dim3A_7 : vector<16xi1>, vector<16xi32>
      %add3A_359 = arith.constant 64 : i32
      %add3A_360 = arith.addi %mul3A_315, %add3A_359 : i32
      %swap3A_361 = arith.index_cast %add3A_360 : i32 to index
      %swap3A_362 = tpu.vector_load %arg6[%swap3A_361] {strides = array<i32>} : memref<16384xi32, #tpu.memory_space<vmem>>, vector<16xi32>,
      tpu.vector_store %arg6[%swap3A_361], %select_n3A_358 {strides = array<i32>} : memref<16384xi32, #tpu.memory_space<vmem>>, vector<16xi32>,
      %add3A_363 = arith.constant 80 : i32
      %add3A_364 = arith.addi %add3A_313, %add3A_363 : i32
      %get3A_365 = arith.index_cast %add3A_364 : i32 to index
      %get3A_366 = tpu.vector_load %arg4[%get3A_365] {strides = array<i32>} : memref<32768xf32, #tpu.memory_space<vmem>>, vector<16xf32>,
      %eq3A_367 = arith.cmpf oeq, %get3A_366, %gather3A_188 : vector<16xf32>
      %select_n3A_368 = arith.select %eq3A_367, %broadcast_in_dim3A_5, %broadcast_in_dim3A_7 : vector<16xi1>, vector<16xi32>
      %add3A_369 = arith.constant 80 : i32
      %add3A_370 = arith.addi %mul3A_315, %add3A_369 : i32
      %swap3A_371 = arith.index_cast %add3A_370 : i32 to index
      %swap3A_372 = tpu.vector_load %arg6[%swap3A_371] {strides = array<i32>} : memref<16384xi32, #tpu.memory_space<vmem>>, vector<16xi32>,
      tpu.vector_store %arg6[%swap3A_371], %select_n3A_368 {strides = array<i32>} : memref<16384xi32, #tpu.memory_space<vmem>>, vector<16xi32>,
      %add3A_373 = arith.constant 96 : i32
      %add3A_374 = arith.addi %add3A_313, %add3A_373 : i32
      %get3A_375 = arith.index_cast %add3A_374 : i32 to index
      %get3A_376 = tpu.vector_load %arg4[%get3A_375] {strides = array<i32>} : memref<32768xf32, #tpu.memory_space<vmem>>, vector<16xf32>,
      %eq3A_377 = arith.cmpf oeq, %get3A_376, %gather3A_188 : vector<16xf32>
      %select_n3A_378 = arith.select %eq3A_377, %broadcast_in_dim3A_5, %broadcast_in_dim3A_7 : vector<16xi1>, vector<16xi32>
      %add3A_379 = arith.constant 96 : i32
      %add3A_380 = arith.addi %mul3A_315, %add3A_379 : i32
      %swap3A_381 = arith.index_cast %add3A_380 : i32 to index
      %swap3A_382 = tpu.vector_load %arg6[%swap3A_381] {strides = array<i32>} : memref<16384xi32, #tpu.memory_space<vmem>>, vector<16xi32>,
      tpu.vector_store %arg6[%swap3A_381], %select_n3A_378 {strides = array<i32>} : memref<16384xi32, #tpu.memory_space<vmem>>, vector<16xi32>,
      %add3A_383 = arith.constant 112 : i32
      %add3A_384 = arith.addi %add3A_313, %add3A_383 : i32
      %get3A_385 = arith.index_cast %add3A_384 : i32 to index
      %get3A_386 = tpu.vector_load %arg4[%get3A_385] {strides = array<i32>} : memref<32768xf32, #tpu.memory_space<vmem>>, vector<16xf32>,
      %eq3A_387 = arith.cmpf oeq, %get3A_386, %gather3A_188 : vector<16xf32>
      %select_n3A_388 = arith.select %eq3A_387, %broadcast_in_dim3A_5, %broadcast_in_dim3A_7 : vector<16xi1>, vector<16xi32>
      %add3A_389 = arith.constant 112 : i32
      %add3A_390 = arith.addi %mul3A_315, %add3A_389 : i32
      %swap3A_391 = arith.index_cast %add3A_390 : i32 to index
      %swap3A_392 = tpu.vector_load %arg6[%swap3A_391] {strides = array<i32>} : memref<16384xi32, #tpu.memory_space<vmem>>, vector<16xi32>,
      tpu.vector_store %arg6[%swap3A_391], %select_n3A_388 {strides = array<i32>} : memref<16384xi32, #tpu.memory_space<vmem>>, vector<16xi32>,
    }
    %scan3A_200 = arith.constant 128 : i32
    %add3A_201 = arith.constant 2 : i32
    %add3A_202 = arith.addi %mul3A_2, %add3A_201 : i32
    %dma_start3A_203 = arith.constant 0 : i32
    %dma_start3A_204 = tpu.memref_slice %arg3[%add3A_202, %dma_start3A_203] : memref<128x32768xi32, #tpu.memory_space<hbm>> -> memref<1x16384xi32, #tpu.memory_space<hbm>>
    %dma_start3A_205 = tpu.memref_squeeze %dma_start3A_204 : memref<1x16384xi32, #tpu.memory_space<hbm>> -> memref<16384xi32, #tpu.memory_space<hbm>>
    %dma_start3A_206 = arith.constant 0 : i32
    %dma_start3A_207 = tpu.memref_slice %arg3[%add3A_202, %dma_start3A_206] : memref<128x32768xi32, #tpu.memory_space<hbm>> -> memref<1x16384xi32, #tpu.memory_space<hbm>>
    %dma_start3A_208 = tpu.memref_squeeze %dma_start3A_207 : memref<1x16384xi32, #tpu.memory_space<hbm>> -> memref<16384xi32, #tpu.memory_space<hbm>>
    tpu.enqueue_dma source(%arg6 : memref<16384xi32, #tpu.memory_space<vmem>>) target(%dma_start3A_208 : memref<16384xi32, #tpu.memory_space<hbm>>) target_semaphore(%arg11 : memref<!tpu.dma_semaphore, #tpu.memory_space<semaphore_mem>>)
    %dma_wait3A_209 = arith.constant 16384 : i32
    %dma_wait3A_210 = tpu.memref_slice %arg3[%add3A_144, %dma_wait3A_209] : memref<128x32768xi32, #tpu.memory_space<hbm>> -> memref<1x16384xi32, #tpu.memory_space<hbm>>
    %dma_wait3A_211 = tpu.memref_squeeze %dma_wait3A_210 : memref<1x16384xi32, #tpu.memory_space<hbm>> -> memref<16384xi32, #tpu.memory_space<hbm>>
    %dma_wait3A_212 = arith.constant 16384 : i32
    %dma_wait3A_213 = tpu.memref_slice %arg3[%add3A_144, %dma_wait3A_212] : memref<128x32768xi32, #tpu.memory_space<hbm>> -> memref<1x16384xi32, #tpu.memory_space<hbm>>
    %dma_wait3A_214 = tpu.memref_squeeze %dma_wait3A_213 : memref<1x16384xi32, #tpu.memory_space<hbm>> -> memref<16384xi32, #tpu.memory_space<hbm>>
    tpu.wait_dma2 semaphore(%arg12 : memref<!tpu.dma_semaphore, #tpu.memory_space<semaphore_mem>>) src(%arg7 : memref<16384xi32, #tpu.memory_space<vmem>>) dst(%dma_wait3A_214 : memref<16384xi32, #tpu.memory_space<hbm>>)
    %scan3A_215 = arith.constant 0 : i32
    %scan3A_216 = arith.constant 0 : i32
    %scan3A_217 = arith.constant 128 : i32
    %scan3A_218 = arith.addi %scan3A_216, %scan3A_217 : i32
    %scan3A_219 = arith.constant 1 : i32
    scf.for %scan3A_309 = %scan3A_216 to %scan3A_218 step %scan3A_219  : i32 {
      %mul3A_310 = arith.constant 128 : i32
      %mul3A_311 = arith.muli %scan3A_309, %mul3A_310 : i32
      %add3A_312 = arith.constant 16384 : i32
      %add3A_313 = arith.addi %add3A_312, %mul3A_311 : i32
      %mul3A_314 = arith.constant 128 : i32
      %mul3A_315 = arith.muli %scan3A_309, %mul3A_314 : i32
      %add3A_316 = arith.constant 0 : i32
      %add3A_317 = arith.addi %add3A_313, %add3A_316 : i32
      %get3A = arith.index_cast %add3A_317 : i32 to index
      %get3A_318 = tpu.vector_load %arg4[%get3A] {strides = array<i32>} : memref<32768xf32, #tpu.memory_space<vmem>>, vector<16xf32>,
      %eq3A = arith.cmpf oeq, %get3A_318, %gather3A_188 : vector<16xf32>
      %select_n3A = arith.select %eq3A, %broadcast_in_dim3A_5, %broadcast_in_dim3A_7 : vector<16xi1>, vector<16xi32>
      %add3A_319 = arith.constant 0 : i32
      %add3A_320 = arith.addi %mul3A_315, %add3A_319 : i32
      %swap3A_321 = arith.index_cast %add3A_320 : i32 to index
      %swap3A_322 = tpu.vector_load %arg7[%swap3A_321] {strides = array<i32>} : memref<16384xi32, #tpu.memory_space<vmem>>, vector<16xi32>,
      tpu.vector_store %arg7[%swap3A_321], %select_n3A {strides = array<i32>} : memref<16384xi32, #tpu.memory_space<vmem>>, vector<16xi32>,
      %add3A_323 = arith.constant 16 : i32
      %add3A_324 = arith.addi %add3A_313, %add3A_323 : i32
      %get3A_325 = arith.index_cast %add3A_324 : i32 to index
      %get3A_326 = tpu.vector_load %arg4[%get3A_325] {strides = array<i32>} : memref<32768xf32, #tpu.memory_space<vmem>>, vector<16xf32>,
      %eq3A_327 = arith.cmpf oeq, %get3A_326, %gather3A_188 : vector<16xf32>
      %select_n3A_328 = arith.select %eq3A_327, %broadcast_in_dim3A_5, %broadcast_in_dim3A_7 : vector<16xi1>, vector<16xi32>
      %add3A_329 = arith.constant 16 : i32
      %add3A_330 = arith.addi %mul3A_315, %add3A_329 : i32
      %swap3A_331 = arith.index_cast %add3A_330 : i32 to index
      %swap3A_332 = tpu.vector_load %arg7[%swap3A_331] {strides = array<i32>} : memref<16384xi32, #tpu.memory_space<vmem>>, vector<16xi32>,
      tpu.vector_store %arg7[%swap3A_331], %select_n3A_328 {strides = array<i32>} : memref<16384xi32, #tpu.memory_space<vmem>>, vector<16xi32>,
      %add3A_333 = arith.constant 32 : i32
      %add3A_334 = arith.addi %add3A_313, %add3A_333 : i32
      %get3A_335 = arith.index_cast %add3A_334 : i32 to index
      %get3A_336 = tpu.vector_load %arg4[%get3A_335] {strides = array<i32>} : memref<32768xf32, #tpu.memory_space<vmem>>, vector<16xf32>,
      %eq3A_337 = arith.cmpf oeq, %get3A_336, %gather3A_188 : vector<16xf32>
      %select_n3A_338 = arith.select %eq3A_337, %broadcast_in_dim3A_5, %broadcast_in_dim3A_7 : vector<16xi1>, vector<16xi32>
      %add3A_339 = arith.constant 32 : i32
      %add3A_340 = arith.addi %mul3A_315, %add3A_339 : i32
      %swap3A_341 = arith.index_cast %add3A_340 : i32 to index
      %swap3A_342 = tpu.vector_load %arg7[%swap3A_341] {strides = array<i32>} : memref<16384xi32, #tpu.memory_space<vmem>>, vector<16xi32>,
      tpu.vector_store %arg7[%swap3A_341], %select_n3A_338 {strides = array<i32>} : memref<16384xi32, #tpu.memory_space<vmem>>, vector<16xi32>,
      %add3A_343 = arith.constant 48 : i32
      %add3A_344 = arith.addi %add3A_313, %add3A_343 : i32
      %get3A_345 = arith.index_cast %add3A_344 : i32 to index
      %get3A_346 = tpu.vector_load %arg4[%get3A_345] {strides = array<i32>} : memref<32768xf32, #tpu.memory_space<vmem>>, vector<16xf32>,
      %eq3A_347 = arith.cmpf oeq, %get3A_346, %gather3A_188 : vector<16xf32>
      %select_n3A_348 = arith.select %eq3A_347, %broadcast_in_dim3A_5, %broadcast_in_dim3A_7 : vector<16xi1>, vector<16xi32>
      %add3A_349 = arith.constant 48 : i32
      %add3A_350 = arith.addi %mul3A_315, %add3A_349 : i32
      %swap3A_351 = arith.index_cast %add3A_350 : i32 to index
      %swap3A_352 = tpu.vector_load %arg7[%swap3A_351] {strides = array<i32>} : memref<16384xi32, #tpu.memory_space<vmem>>, vector<16xi32>,
      tpu.vector_store %arg7[%swap3A_351], %select_n3A_348 {strides = array<i32>} : memref<16384xi32, #tpu.memory_space<vmem>>, vector<16xi32>,
      %add3A_353 = arith.constant 64 : i32
      %add3A_354 = arith.addi %add3A_313, %add3A_353 : i32
      %get3A_355 = arith.index_cast %add3A_354 : i32 to index
      %get3A_356 = tpu.vector_load %arg4[%get3A_355] {strides = array<i32>} : memref<32768xf32, #tpu.memory_space<vmem>>, vector<16xf32>,
      %eq3A_357 = arith.cmpf oeq, %get3A_356, %gather3A_188 : vector<16xf32>
      %select_n3A_358 = arith.select %eq3A_357, %broadcast_in_dim3A_5, %broadcast_in_dim3A_7 : vector<16xi1>, vector<16xi32>
      %add3A_359 = arith.constant 64 : i32
      %add3A_360 = arith.addi %mul3A_315, %add3A_359 : i32
      %swap3A_361 = arith.index_cast %add3A_360 : i32 to index
      %swap3A_362 = tpu.vector_load %arg7[%swap3A_361] {strides = array<i32>} : memref<16384xi32, #tpu.memory_space<vmem>>, vector<16xi32>,
      tpu.vector_store %arg7[%swap3A_361], %select_n3A_358 {strides = array<i32>} : memref<16384xi32, #tpu.memory_space<vmem>>, vector<16xi32>,
      %add3A_363 = arith.constant 80 : i32
      %add3A_364 = arith.addi %add3A_313, %add3A_363 : i32
      %get3A_365 = arith.index_cast %add3A_364 : i32 to index
      %get3A_366 = tpu.vector_load %arg4[%get3A_365] {strides = array<i32>} : memref<32768xf32, #tpu.memory_space<vmem>>, vector<16xf32>,
      %eq3A_367 = arith.cmpf oeq, %get3A_366, %gather3A_188 : vector<16xf32>
      %select_n3A_368 = arith.select %eq3A_367, %broadcast_in_dim3A_5, %broadcast_in_dim3A_7 : vector<16xi1>, vector<16xi32>
      %add3A_369 = arith.constant 80 : i32
      %add3A_370 = arith.addi %mul3A_315, %add3A_369 : i32
      %swap3A_371 = arith.index_cast %add3A_370 : i32 to index
      %swap3A_372 = tpu.vector_load %arg7[%swap3A_371] {strides = array<i32>} : memref<16384xi32, #tpu.memory_space<vmem>>, vector<16xi32>,
      tpu.vector_store %arg7[%swap3A_371], %select_n3A_368 {strides = array<i32>} : memref<16384xi32, #tpu.memory_space<vmem>>, vector<16xi32>,
      %add3A_373 = arith.constant 96 : i32
      %add3A_374 = arith.addi %add3A_313, %add3A_373 : i32
      %get3A_375 = arith.index_cast %add3A_374 : i32 to index
      %get3A_376 = tpu.vector_load %arg4[%get3A_375] {strides = array<i32>} : memref<32768xf32, #tpu.memory_space<vmem>>, vector<16xf32>,
      %eq3A_377 = arith.cmpf oeq, %get3A_376, %gather3A_188 : vector<16xf32>
      %select_n3A_378 = arith.select %eq3A_377, %broadcast_in_dim3A_5, %broadcast_in_dim3A_7 : vector<16xi1>, vector<16xi32>
      %add3A_379 = arith.constant 96 : i32
      %add3A_380 = arith.addi %mul3A_315, %add3A_379 : i32
      %swap3A_381 = arith.index_cast %add3A_380 : i32 to index
      %swap3A_382 = tpu.vector_load %arg7[%swap3A_381] {strides = array<i32>} : memref<16384xi32, #tpu.memory_space<vmem>>, vector<16xi32>,
      tpu.vector_store %arg7[%swap3A_381], %select_n3A_378 {strides = array<i32>} : memref<16384xi32, #tpu.memory_space<vmem>>, vector<16xi32>,
      %add3A_383 = arith.constant 112 : i32
      %add3A_384 = arith.addi %add3A_313, %add3A_383 : i32
      %get3A_385 = arith.index_cast %add3A_384 : i32 to index
      %get3A_386 = tpu.vector_load %arg4[%get3A_385] {strides = array<i32>} : memref<32768xf32, #tpu.memory_space<vmem>>, vector<16xf32>,
      %eq3A_387 = arith.cmpf oeq, %get3A_386, %gather3A_188 : vector<16xf32>
      %select_n3A_388 = arith.select %eq3A_387, %broadcast_in_dim3A_5, %broadcast_in_dim3A_7 : vector<16xi1>, vector<16xi32>
      %add3A_389 = arith.constant 112 : i32
      %add3A_390 = arith.addi %mul3A_315, %add3A_389 : i32
      %swap3A_391 = arith.index_cast %add3A_390 : i32 to index
      %swap3A_392 = tpu.vector_load %arg7[%swap3A_391] {strides = array<i32>} : memref<16384xi32, #tpu.memory_space<vmem>>, vector<16xi32>,
      tpu.vector_store %arg7[%swap3A_391], %select_n3A_388 {strides = array<i32>} : memref<16384xi32, #tpu.memory_space<vmem>>, vector<16xi32>,
    }
    %scan3A_220 = arith.constant 128 : i32
    %add3A_221 = arith.constant 2 : i32
    %add3A_222 = arith.addi %mul3A_2, %add3A_221 : i32
    %dma_start3A_223 = arith.constant 16384 : i32
    %dma_start3A_224 = tpu.memref_slice %arg3[%add3A_222, %dma_start3A_223] : memref<128x32768xi32, #tpu.memory_space<hbm>> -> memref<1x16384xi32, #tpu.memory_space<hbm>>
    %dma_start3A_225 = tpu.memref_squeeze %dma_start3A_224 : memref<1x16384xi32, #tpu.memory_space<hbm>> -> memref<16384xi32, #tpu.memory_space<hbm>>
    %dma_start3A_226 = arith.constant 16384 : i32
    %dma_start3A_227 = tpu.memref_slice %arg3[%add3A_222, %dma_start3A_226] : memref<128x32768xi32, #tpu.memory_space<hbm>> -> memref<1x16384xi32, #tpu.memory_space<hbm>>
    %dma_start3A_228 = tpu.memref_squeeze %dma_start3A_227 : memref<1x16384xi32, #tpu.memory_space<hbm>> -> memref<16384xi32, #tpu.memory_space<hbm>>
    tpu.enqueue_dma source(%arg7 : memref<16384xi32, #tpu.memory_space<vmem>>) target(%dma_start3A_228 : memref<16384xi32, #tpu.memory_space<hbm>>) target_semaphore(%arg12 : memref<!tpu.dma_semaphore, #tpu.memory_space<semaphore_mem>>)
    %dma_wait3A_229 = arith.constant 0 : i32
    %dma_wait3A_230 = tpu.memref_slice %arg2[%add3A_160, %dma_wait3A_229] : memref<128x32768xf32, #tpu.memory_space<hbm>> -> memref<1x32768xf32, #tpu.memory_space<hbm>>
    %dma_wait3A_231 = tpu.memref_squeeze %dma_wait3A_230 : memref<1x32768xf32, #tpu.memory_space<hbm>> -> memref<32768xf32, #tpu.memory_space<hbm>>
    %dma_wait3A_232 = arith.constant 0 : i32
    %dma_wait3A_233 = tpu.memref_slice %arg2[%add3A_160, %dma_wait3A_232] : memref<128x32768xf32, #tpu.memory_space<hbm>> -> memref<1x32768xf32, #tpu.memory_space<hbm>>
    %dma_wait3A_234 = tpu.memref_squeeze %dma_wait3A_233 : memref<1x32768xf32, #tpu.memory_space<hbm>> -> memref<32768xf32, #tpu.memory_space<hbm>>
    tpu.wait_dma2 semaphore(%arg10 : memref<!tpu.dma_semaphore, #tpu.memory_space<semaphore_mem>>) src(%dma_wait3A_234 : memref<32768xf32, #tpu.memory_space<hbm>>) dst(%arg5 : memref<32768xf32, #tpu.memory_space<vmem>>)
    %scan3A_235 = arith.constant 0 : i32
    %scan3A_236 = arith.constant 256 : i32
    %scan3A_237 = arith.addi %scan3A_235, %scan3A_236 : i32
    %scan3A_238 = arith.constant 1 : i32
    %scan3A_239:8 = scf.for %scan3A_309 = %scan3A_235 to %scan3A_237 step %scan3A_238 iter_args(%scan3A_310 = %broadcast_in_dim3A_3, %scan3A_311 = %broadcast_in_dim3A_3, %scan3A_312 = %broadcast_in_dim3A_3, %scan3A_313 = %broadcast_in_dim3A_3, %scan3A_314 = %broadcast_in_dim3A_3, %scan3A_315 = %broadcast_in_dim3A_3, %scan3A_316 = %broadcast_in_dim3A_3, %scan3A_317 = %broadcast_in_dim3A_3) -> (vector<16xf32>, vector<16xf32>, vector<16xf32>, vector<16xf32>, vector<16xf32>, vector<16xf32>, vector<16xf32>, vector<16xf32>)  : i32 {
      %mul3A_318 = arith.constant 128 : i32
      %mul3A_319 = arith.muli %scan3A_309, %mul3A_318 : i32
      %add3A_320 = arith.constant 0 : i32
      %add3A_321 = arith.addi %mul3A_319, %add3A_320 : i32
      %get3A = arith.index_cast %add3A_321 : i32 to index
      %get3A_322 = tpu.vector_load %arg5[%get3A] {strides = array<i32>} : memref<32768xf32, #tpu.memory_space<vmem>>, vector<16xf32>,
      %max3A_323 = arith.maximumf %scan3A_310, %get3A_322 : vector<16xf32>
      %add3A_324 = arith.constant 16 : i32
      %add3A_325 = arith.addi %mul3A_319, %add3A_324 : i32
      %get3A_326 = arith.index_cast %add3A_325 : i32 to index
      %get3A_327 = tpu.vector_load %arg5[%get3A_326] {strides = array<i32>} : memref<32768xf32, #tpu.memory_space<vmem>>, vector<16xf32>,
      %max3A_328 = arith.maximumf %scan3A_311, %get3A_327 : vector<16xf32>
      %add3A_329 = arith.constant 32 : i32
      %add3A_330 = arith.addi %mul3A_319, %add3A_329 : i32
      %get3A_331 = arith.index_cast %add3A_330 : i32 to index
      %get3A_332 = tpu.vector_load %arg5[%get3A_331] {strides = array<i32>} : memref<32768xf32, #tpu.memory_space<vmem>>, vector<16xf32>,
      %max3A_333 = arith.maximumf %scan3A_312, %get3A_332 : vector<16xf32>
      %add3A_334 = arith.constant 48 : i32
      %add3A_335 = arith.addi %mul3A_319, %add3A_334 : i32
      %get3A_336 = arith.index_cast %add3A_335 : i32 to index
      %get3A_337 = tpu.vector_load %arg5[%get3A_336] {strides = array<i32>} : memref<32768xf32, #tpu.memory_space<vmem>>, vector<16xf32>,
      %max3A_338 = arith.maximumf %scan3A_313, %get3A_337 : vector<16xf32>
      %add3A_339 = arith.constant 64 : i32
      %add3A_340 = arith.addi %mul3A_319, %add3A_339 : i32
      %get3A_341 = arith.index_cast %add3A_340 : i32 to index
      %get3A_342 = tpu.vector_load %arg5[%get3A_341] {strides = array<i32>} : memref<32768xf32, #tpu.memory_space<vmem>>, vector<16xf32>,
      %max3A_343 = arith.maximumf %scan3A_314, %get3A_342 : vector<16xf32>
      %add3A_344 = arith.constant 80 : i32
      %add3A_345 = arith.addi %mul3A_319, %add3A_344 : i32
      %get3A_346 = arith.index_cast %add3A_345 : i32 to index
      %get3A_347 = tpu.vector_load %arg5[%get3A_346] {strides = array<i32>} : memref<32768xf32, #tpu.memory_space<vmem>>, vector<16xf32>,
      %max3A_348 = arith.maximumf %scan3A_315, %get3A_347 : vector<16xf32>
      %add3A_349 = arith.constant 96 : i32
      %add3A_350 = arith.addi %mul3A_319, %add3A_349 : i32
      %get3A_351 = arith.index_cast %add3A_350 : i32 to index
      %get3A_352 = tpu.vector_load %arg5[%get3A_351] {strides = array<i32>} : memref<32768xf32, #tpu.memory_space<vmem>>, vector<16xf32>,
      %max3A_353 = arith.maximumf %scan3A_316, %get3A_352 : vector<16xf32>
      %add3A_354 = arith.constant 112 : i32
      %add3A_355 = arith.addi %mul3A_319, %add3A_354 : i32
      %get3A_356 = arith.index_cast %add3A_355 : i32 to index
      %get3A_357 = tpu.vector_load %arg5[%get3A_356] {strides = array<i32>} : memref<32768xf32, #tpu.memory_space<vmem>>, vector<16xf32>,
      %max3A_358 = arith.maximumf %scan3A_317, %get3A_357 : vector<16xf32>
      scf.yield %max3A_323, %max3A_328, %max3A_333, %max3A_338, %max3A_343, %max3A_348, %max3A_353, %max3A_358 : vector<16xf32>, vector<16xf32>, vector<16xf32>, vector<16xf32>, vector<16xf32>, vector<16xf32>, vector<16xf32>, vector<16xf32>
    }
    %scan3A_240 = arith.constant 256 : i32
    %max3A_241 = arith.maximumf %scan3A_239#0, %scan3A_239#1 : vector<16xf32>
    %max3A_242 = arith.maximumf %max3A_241, %scan3A_239#2 : vector<16xf32>
    %max3A_243 = arith.maximumf %max3A_242, %scan3A_239#3 : vector<16xf32>
    %max3A_244 = arith.maximumf %max3A_243, %scan3A_239#4 : vector<16xf32>
    %max3A_245 = arith.maximumf %max3A_244, %scan3A_239#5 : vector<16xf32>
    %max3A_246 = arith.maximumf %max3A_245, %scan3A_239#6 : vector<16xf32>
    %max3A_247 = arith.maximumf %max3A_246, %scan3A_239#7 : vector<16xf32>
    %masked_sort3A_248 = arith.constant dense<true> : vector<16xi1>
    %masked_sort3A_249, %masked_sort3A_250, %masked_sort3A_251 = tpu.sort %max3A_247, %max3A_247 masked %masked_sort3A_248 : (vector<16xf32>, vector<16xf32>, vector<16xi1>) -> (vector<16xi1>, vector<16xf32>, vector<16xf32>)
    %swap3A_252 = arith.constant 0 : index
    %swap3A_253 = tpu.vector_load %arg8[%swap3A_252] {strides = array<i32>} : memref<16xf32, #tpu.memory_space<vmem>>, vector<16xf32>,
    tpu.vector_store %arg8[%swap3A_252], %masked_sort3A_250 {strides = array<i32>} : memref<16xf32, #tpu.memory_space<vmem>>, vector<16xf32>,
    %broadcast_in_dim3A_254 = arith.constant 15 : i32
    %broadcast_in_dim3A_255 = vector.broadcast %broadcast_in_dim3A_254 : i32 to vector<16xi32>
    %gather3A_256 = tpu.vector_load_idx %arg8[%broadcast_in_dim3A_255] : memref<16xf32, #tpu.memory_space<vmem>>[vector<16xi32>], vector<16xf32>,
    %dma_wait3A_257 = arith.constant 0 : i32
    %dma_wait3A_258 = tpu.memref_slice %arg3[%add3A_202, %dma_wait3A_257] : memref<128x32768xi32, #tpu.memory_space<hbm>> -> memref<1x16384xi32, #tpu.memory_space<hbm>>
    %dma_wait3A_259 = tpu.memref_squeeze %dma_wait3A_258 : memref<1x16384xi32, #tpu.memory_space<hbm>> -> memref<16384xi32, #tpu.memory_space<hbm>>
    %dma_wait3A_260 = arith.constant 0 : i32
    %dma_wait3A_261 = tpu.memref_slice %arg3[%add3A_202, %dma_wait3A_260] : memref<128x32768xi32, #tpu.memory_space<hbm>> -> memref<1x16384xi32, #tpu.memory_space<hbm>>
    %dma_wait3A_262 = tpu.memref_squeeze %dma_wait3A_261 : memref<1x16384xi32, #tpu.memory_space<hbm>> -> memref<16384xi32, #tpu.memory_space<hbm>>
    tpu.wait_dma2 semaphore(%arg11 : memref<!tpu.dma_semaphore, #tpu.memory_space<semaphore_mem>>) src(%arg6 : memref<16384xi32, #tpu.memory_space<vmem>>) dst(%dma_wait3A_262 : memref<16384xi32, #tpu.memory_space<hbm>>)
    %scan3A_263 = arith.constant 0 : i32
    %scan3A_264 = arith.constant 0 : i32
    %scan3A_265 = arith.constant 128 : i32
    %scan3A_266 = arith.addi %scan3A_264, %scan3A_265 : i32
    %scan3A_267 = arith.constant 1 : i32
    scf.for %scan3A_309 = %scan3A_264 to %scan3A_266 step %scan3A_267  : i32 {
      %mul3A_310 = arith.constant 128 : i32
      %mul3A_311 = arith.muli %scan3A_309, %mul3A_310 : i32
      %add3A_312 = arith.constant 0 : i32
      %add3A_313 = arith.addi %add3A_312, %mul3A_311 : i32
      %mul3A_314 = arith.constant 128 : i32
      %mul3A_315 = arith.muli %scan3A_309, %mul3A_314 : i32
      %add3A_316 = arith.constant 0 : i32
      %add3A_317 = arith.addi %add3A_313, %add3A_316 : i32
      %get3A = arith.index_cast %add3A_317 : i32 to index
      %get3A_318 = tpu.vector_load %arg5[%get3A] {strides = array<i32>} : memref<32768xf32, #tpu.memory_space<vmem>>, vector<16xf32>,
      %eq3A = arith.cmpf oeq, %get3A_318, %gather3A_256 : vector<16xf32>
      %select_n3A = arith.select %eq3A, %broadcast_in_dim3A_5, %broadcast_in_dim3A_7 : vector<16xi1>, vector<16xi32>
      %add3A_319 = arith.constant 0 : i32
      %add3A_320 = arith.addi %mul3A_315, %add3A_319 : i32
      %swap3A_321 = arith.index_cast %add3A_320 : i32 to index
      %swap3A_322 = tpu.vector_load %arg6[%swap3A_321] {strides = array<i32>} : memref<16384xi32, #tpu.memory_space<vmem>>, vector<16xi32>,
      tpu.vector_store %arg6[%swap3A_321], %select_n3A {strides = array<i32>} : memref<16384xi32, #tpu.memory_space<vmem>>, vector<16xi32>,
      %add3A_323 = arith.constant 16 : i32
      %add3A_324 = arith.addi %add3A_313, %add3A_323 : i32
      %get3A_325 = arith.index_cast %add3A_324 : i32 to index
      %get3A_326 = tpu.vector_load %arg5[%get3A_325] {strides = array<i32>} : memref<32768xf32, #tpu.memory_space<vmem>>, vector<16xf32>,
      %eq3A_327 = arith.cmpf oeq, %get3A_326, %gather3A_256 : vector<16xf32>
      %select_n3A_328 = arith.select %eq3A_327, %broadcast_in_dim3A_5, %broadcast_in_dim3A_7 : vector<16xi1>, vector<16xi32>
      %add3A_329 = arith.constant 16 : i32
      %add3A_330 = arith.addi %mul3A_315, %add3A_329 : i32
      %swap3A_331 = arith.index_cast %add3A_330 : i32 to index
      %swap3A_332 = tpu.vector_load %arg6[%swap3A_331] {strides = array<i32>} : memref<16384xi32, #tpu.memory_space<vmem>>, vector<16xi32>,
      tpu.vector_store %arg6[%swap3A_331], %select_n3A_328 {strides = array<i32>} : memref<16384xi32, #tpu.memory_space<vmem>>, vector<16xi32>,
      %add3A_333 = arith.constant 32 : i32
      %add3A_334 = arith.addi %add3A_313, %add3A_333 : i32
      %get3A_335 = arith.index_cast %add3A_334 : i32 to index
      %get3A_336 = tpu.vector_load %arg5[%get3A_335] {strides = array<i32>} : memref<32768xf32, #tpu.memory_space<vmem>>, vector<16xf32>,
      %eq3A_337 = arith.cmpf oeq, %get3A_336, %gather3A_256 : vector<16xf32>
      %select_n3A_338 = arith.select %eq3A_337, %broadcast_in_dim3A_5, %broadcast_in_dim3A_7 : vector<16xi1>, vector<16xi32>
      %add3A_339 = arith.constant 32 : i32
      %add3A_340 = arith.addi %mul3A_315, %add3A_339 : i32
      %swap3A_341 = arith.index_cast %add3A_340 : i32 to index
      %swap3A_342 = tpu.vector_load %arg6[%swap3A_341] {strides = array<i32>} : memref<16384xi32, #tpu.memory_space<vmem>>, vector<16xi32>,
      tpu.vector_store %arg6[%swap3A_341], %select_n3A_338 {strides = array<i32>} : memref<16384xi32, #tpu.memory_space<vmem>>, vector<16xi32>,
      %add3A_343 = arith.constant 48 : i32
      %add3A_344 = arith.addi %add3A_313, %add3A_343 : i32
      %get3A_345 = arith.index_cast %add3A_344 : i32 to index
      %get3A_346 = tpu.vector_load %arg5[%get3A_345] {strides = array<i32>} : memref<32768xf32, #tpu.memory_space<vmem>>, vector<16xf32>,
      %eq3A_347 = arith.cmpf oeq, %get3A_346, %gather3A_256 : vector<16xf32>
      %select_n3A_348 = arith.select %eq3A_347, %broadcast_in_dim3A_5, %broadcast_in_dim3A_7 : vector<16xi1>, vector<16xi32>
      %add3A_349 = arith.constant 48 : i32
      %add3A_350 = arith.addi %mul3A_315, %add3A_349 : i32
      %swap3A_351 = arith.index_cast %add3A_350 : i32 to index
      %swap3A_352 = tpu.vector_load %arg6[%swap3A_351] {strides = array<i32>} : memref<16384xi32, #tpu.memory_space<vmem>>, vector<16xi32>,
      tpu.vector_store %arg6[%swap3A_351], %select_n3A_348 {strides = array<i32>} : memref<16384xi32, #tpu.memory_space<vmem>>, vector<16xi32>,
      %add3A_353 = arith.constant 64 : i32
      %add3A_354 = arith.addi %add3A_313, %add3A_353 : i32
      %get3A_355 = arith.index_cast %add3A_354 : i32 to index
      %get3A_356 = tpu.vector_load %arg5[%get3A_355] {strides = array<i32>} : memref<32768xf32, #tpu.memory_space<vmem>>, vector<16xf32>,
      %eq3A_357 = arith.cmpf oeq, %get3A_356, %gather3A_256 : vector<16xf32>
      %select_n3A_358 = arith.select %eq3A_357, %broadcast_in_dim3A_5, %broadcast_in_dim3A_7 : vector<16xi1>, vector<16xi32>
      %add3A_359 = arith.constant 64 : i32
      %add3A_360 = arith.addi %mul3A_315, %add3A_359 : i32
      %swap3A_361 = arith.index_cast %add3A_360 : i32 to index
      %swap3A_362 = tpu.vector_load %arg6[%swap3A_361] {strides = array<i32>} : memref<16384xi32, #tpu.memory_space<vmem>>, vector<16xi32>,
      tpu.vector_store %arg6[%swap3A_361], %select_n3A_358 {strides = array<i32>} : memref<16384xi32, #tpu.memory_space<vmem>>, vector<16xi32>,
      %add3A_363 = arith.constant 80 : i32
      %add3A_364 = arith.addi %add3A_313, %add3A_363 : i32
      %get3A_365 = arith.index_cast %add3A_364 : i32 to index
      %get3A_366 = tpu.vector_load %arg5[%get3A_365] {strides = array<i32>} : memref<32768xf32, #tpu.memory_space<vmem>>, vector<16xf32>,
      %eq3A_367 = arith.cmpf oeq, %get3A_366, %gather3A_256 : vector<16xf32>
      %select_n3A_368 = arith.select %eq3A_367, %broadcast_in_dim3A_5, %broadcast_in_dim3A_7 : vector<16xi1>, vector<16xi32>
      %add3A_369 = arith.constant 80 : i32
      %add3A_370 = arith.addi %mul3A_315, %add3A_369 : i32
      %swap3A_371 = arith.index_cast %add3A_370 : i32 to index
      %swap3A_372 = tpu.vector_load %arg6[%swap3A_371] {strides = array<i32>} : memref<16384xi32, #tpu.memory_space<vmem>>, vector<16xi32>,
      tpu.vector_store %arg6[%swap3A_371], %select_n3A_368 {strides = array<i32>} : memref<16384xi32, #tpu.memory_space<vmem>>, vector<16xi32>,
      %add3A_373 = arith.constant 96 : i32
      %add3A_374 = arith.addi %add3A_313, %add3A_373 : i32
      %get3A_375 = arith.index_cast %add3A_374 : i32 to index
      %get3A_376 = tpu.vector_load %arg5[%get3A_375] {strides = array<i32>} : memref<32768xf32, #tpu.memory_space<vmem>>, vector<16xf32>,
      %eq3A_377 = arith.cmpf oeq, %get3A_376, %gather3A_256 : vector<16xf32>
      %select_n3A_378 = arith.select %eq3A_377, %broadcast_in_dim3A_5, %broadcast_in_dim3A_7 : vector<16xi1>, vector<16xi32>
      %add3A_379 = arith.constant 96 : i32
      %add3A_380 = arith.addi %mul3A_315, %add3A_379 : i32
      %swap3A_381 = arith.index_cast %add3A_380 : i32 to index
      %swap3A_382 = tpu.vector_load %arg6[%swap3A_381] {strides = array<i32>} : memref<16384xi32, #tpu.memory_space<vmem>>, vector<16xi32>,
      tpu.vector_store %arg6[%swap3A_381], %select_n3A_378 {strides = array<i32>} : memref<16384xi32, #tpu.memory_space<vmem>>, vector<16xi32>,
      %add3A_383 = arith.constant 112 : i32
      %add3A_384 = arith.addi %add3A_313, %add3A_383 : i32
      %get3A_385 = arith.index_cast %add3A_384 : i32 to index
      %get3A_386 = tpu.vector_load %arg5[%get3A_385] {strides = array<i32>} : memref<32768xf32, #tpu.memory_space<vmem>>, vector<16xf32>,
      %eq3A_387 = arith.cmpf oeq, %get3A_386, %gather3A_256 : vector<16xf32>
      %select_n3A_388 = arith.select %eq3A_387, %broadcast_in_dim3A_5, %broadcast_in_dim3A_7 : vector<16xi1>, vector<16xi32>
      %add3A_389 = arith.constant 112 : i32
      %add3A_390 = arith.addi %mul3A_315, %add3A_389 : i32
      %swap3A_391 = arith.index_cast %add3A_390 : i32 to index
      %swap3A_392 = tpu.vector_load %arg6[%swap3A_391] {strides = array<i32>} : memref<16384xi32, #tpu.memory_space<vmem>>, vector<16xi32>,
      tpu.vector_store %arg6[%swap3A_391], %select_n3A_388 {strides = array<i32>} : memref<16384xi32, #tpu.memory_space<vmem>>, vector<16xi32>,
    }
    %scan3A_268 = arith.constant 128 : i32
    %add3A_269 = arith.constant 3 : i32
    %add3A_270 = arith.addi %mul3A_2, %add3A_269 : i32
    %dma_start3A_271 = arith.constant 0 : i32
    %dma_start3A_272 = tpu.memref_slice %arg3[%add3A_270, %dma_start3A_271] : memref<128x32768xi32, #tpu.memory_space<hbm>> -> memref<1x16384xi32, #tpu.memory_space<hbm>>
    %dma_start3A_273 = tpu.memref_squeeze %dma_start3A_272 : memref<1x16384xi32, #tpu.memory_space<hbm>> -> memref<16384xi32, #tpu.memory_space<hbm>>
    %dma_start3A_274 = arith.constant 0 : i32
    %dma_start3A_275 = tpu.memref_slice %arg3[%add3A_270, %dma_start3A_274] : memref<128x32768xi32, #tpu.memory_space<hbm>> -> memref<1x16384xi32, #tpu.memory_space<hbm>>
    %dma_start3A_276 = tpu.memref_squeeze %dma_start3A_275 : memref<1x16384xi32, #tpu.memory_space<hbm>> -> memref<16384xi32, #tpu.memory_space<hbm>>
    tpu.enqueue_dma source(%arg6 : memref<16384xi32, #tpu.memory_space<vmem>>) target(%dma_start3A_276 : memref<16384xi32, #tpu.memory_space<hbm>>) target_semaphore(%arg11 : memref<!tpu.dma_semaphore, #tpu.memory_space<semaphore_mem>>)
    %dma_wait3A_277 = arith.constant 16384 : i32
    %dma_wait3A_278 = tpu.memref_slice %arg3[%add3A_222, %dma_wait3A_277] : memref<128x32768xi32, #tpu.memory_space<hbm>> -> memref<1x16384xi32, #tpu.memory_space<hbm>>
    %dma_wait3A_279 = tpu.memref_squeeze %dma_wait3A_278 : memref<1x16384xi32, #tpu.memory_space<hbm>> -> memref<16384xi32, #tpu.memory_space<hbm>>
    %dma_wait3A_280 = arith.constant 16384 : i32
    %dma_wait3A_281 = tpu.memref_slice %arg3[%add3A_222, %dma_wait3A_280] : memref<128x32768xi32, #tpu.memory_space<hbm>> -> memref<1x16384xi32, #tpu.memory_space<hbm>>
    %dma_wait3A_282 = tpu.memref_squeeze %dma_wait3A_281 : memref<1x16384xi32, #tpu.memory_space<hbm>> -> memref<16384xi32, #tpu.memory_space<hbm>>
    tpu.wait_dma2 semaphore(%arg12 : memref<!tpu.dma_semaphore, #tpu.memory_space<semaphore_mem>>) src(%arg7 : memref<16384xi32, #tpu.memory_space<vmem>>) dst(%dma_wait3A_282 : memref<16384xi32, #tpu.memory_space<hbm>>)
    %scan3A_283 = arith.constant 0 : i32
    %scan3A_284 = arith.constant 0 : i32
    %scan3A_285 = arith.constant 128 : i32
    %scan3A_286 = arith.addi %scan3A_284, %scan3A_285 : i32
    %scan3A_287 = arith.constant 1 : i32
    scf.for %scan3A_309 = %scan3A_284 to %scan3A_286 step %scan3A_287  : i32 {
      %mul3A_310 = arith.constant 128 : i32
      %mul3A_311 = arith.muli %scan3A_309, %mul3A_310 : i32
      %add3A_312 = arith.constant 16384 : i32
      %add3A_313 = arith.addi %add3A_312, %mul3A_311 : i32
      %mul3A_314 = arith.constant 128 : i32
      %mul3A_315 = arith.muli %scan3A_309, %mul3A_314 : i32
      %add3A_316 = arith.constant 0 : i32
      %add3A_317 = arith.addi %add3A_313, %add3A_316 : i32
      %get3A = arith.index_cast %add3A_317 : i32 to index
      %get3A_318 = tpu.vector_load %arg5[%get3A] {strides = array<i32>} : memref<32768xf32, #tpu.memory_space<vmem>>, vector<16xf32>,
      %eq3A = arith.cmpf oeq, %get3A_318, %gather3A_256 : vector<16xf32>
      %select_n3A = arith.select %eq3A, %broadcast_in_dim3A_5, %broadcast_in_dim3A_7 : vector<16xi1>, vector<16xi32>
      %add3A_319 = arith.constant 0 : i32
      %add3A_320 = arith.addi %mul3A_315, %add3A_319 : i32
      %swap3A_321 = arith.index_cast %add3A_320 : i32 to index
      %swap3A_322 = tpu.vector_load %arg7[%swap3A_321] {strides = array<i32>} : memref<16384xi32, #tpu.memory_space<vmem>>, vector<16xi32>,
      tpu.vector_store %arg7[%swap3A_321], %select_n3A {strides = array<i32>} : memref<16384xi32, #tpu.memory_space<vmem>>, vector<16xi32>,
      %add3A_323 = arith.constant 16 : i32
      %add3A_324 = arith.addi %add3A_313, %add3A_323 : i32
      %get3A_325 = arith.index_cast %add3A_324 : i32 to index
      %get3A_326 = tpu.vector_load %arg5[%get3A_325] {strides = array<i32>} : memref<32768xf32, #tpu.memory_space<vmem>>, vector<16xf32>,
      %eq3A_327 = arith.cmpf oeq, %get3A_326, %gather3A_256 : vector<16xf32>
      %select_n3A_328 = arith.select %eq3A_327, %broadcast_in_dim3A_5, %broadcast_in_dim3A_7 : vector<16xi1>, vector<16xi32>
      %add3A_329 = arith.constant 16 : i32
      %add3A_330 = arith.addi %mul3A_315, %add3A_329 : i32
      %swap3A_331 = arith.index_cast %add3A_330 : i32 to index
      %swap3A_332 = tpu.vector_load %arg7[%swap3A_331] {strides = array<i32>} : memref<16384xi32, #tpu.memory_space<vmem>>, vector<16xi32>,
      tpu.vector_store %arg7[%swap3A_331], %select_n3A_328 {strides = array<i32>} : memref<16384xi32, #tpu.memory_space<vmem>>, vector<16xi32>,
      %add3A_333 = arith.constant 32 : i32
      %add3A_334 = arith.addi %add3A_313, %add3A_333 : i32
      %get3A_335 = arith.index_cast %add3A_334 : i32 to index
      %get3A_336 = tpu.vector_load %arg5[%get3A_335] {strides = array<i32>} : memref<32768xf32, #tpu.memory_space<vmem>>, vector<16xf32>,
      %eq3A_337 = arith.cmpf oeq, %get3A_336, %gather3A_256 : vector<16xf32>
      %select_n3A_338 = arith.select %eq3A_337, %broadcast_in_dim3A_5, %broadcast_in_dim3A_7 : vector<16xi1>, vector<16xi32>
      %add3A_339 = arith.constant 32 : i32
      %add3A_340 = arith.addi %mul3A_315, %add3A_339 : i32
      %swap3A_341 = arith.index_cast %add3A_340 : i32 to index
      %swap3A_342 = tpu.vector_load %arg7[%swap3A_341] {strides = array<i32>} : memref<16384xi32, #tpu.memory_space<vmem>>, vector<16xi32>,
      tpu.vector_store %arg7[%swap3A_341], %select_n3A_338 {strides = array<i32>} : memref<16384xi32, #tpu.memory_space<vmem>>, vector<16xi32>,
      %add3A_343 = arith.constant 48 : i32
      %add3A_344 = arith.addi %add3A_313, %add3A_343 : i32
      %get3A_345 = arith.index_cast %add3A_344 : i32 to index
      %get3A_346 = tpu.vector_load %arg5[%get3A_345] {strides = array<i32>} : memref<32768xf32, #tpu.memory_space<vmem>>, vector<16xf32>,
      %eq3A_347 = arith.cmpf oeq, %get3A_346, %gather3A_256 : vector<16xf32>
      %select_n3A_348 = arith.select %eq3A_347, %broadcast_in_dim3A_5, %broadcast_in_dim3A_7 : vector<16xi1>, vector<16xi32>
      %add3A_349 = arith.constant 48 : i32
      %add3A_350 = arith.addi %mul3A_315, %add3A_349 : i32
      %swap3A_351 = arith.index_cast %add3A_350 : i32 to index
      %swap3A_352 = tpu.vector_load %arg7[%swap3A_351] {strides = array<i32>} : memref<16384xi32, #tpu.memory_space<vmem>>, vector<16xi32>,
      tpu.vector_store %arg7[%swap3A_351], %select_n3A_348 {strides = array<i32>} : memref<16384xi32, #tpu.memory_space<vmem>>, vector<16xi32>,
      %add3A_353 = arith.constant 64 : i32
      %add3A_354 = arith.addi %add3A_313, %add3A_353 : i32
      %get3A_355 = arith.index_cast %add3A_354 : i32 to index
      %get3A_356 = tpu.vector_load %arg5[%get3A_355] {strides = array<i32>} : memref<32768xf32, #tpu.memory_space<vmem>>, vector<16xf32>,
      %eq3A_357 = arith.cmpf oeq, %get3A_356, %gather3A_256 : vector<16xf32>
      %select_n3A_358 = arith.select %eq3A_357, %broadcast_in_dim3A_5, %broadcast_in_dim3A_7 : vector<16xi1>, vector<16xi32>
      %add3A_359 = arith.constant 64 : i32
      %add3A_360 = arith.addi %mul3A_315, %add3A_359 : i32
      %swap3A_361 = arith.index_cast %add3A_360 : i32 to index
      %swap3A_362 = tpu.vector_load %arg7[%swap3A_361] {strides = array<i32>} : memref<16384xi32, #tpu.memory_space<vmem>>, vector<16xi32>,
      tpu.vector_store %arg7[%swap3A_361], %select_n3A_358 {strides = array<i32>} : memref<16384xi32, #tpu.memory_space<vmem>>, vector<16xi32>,
      %add3A_363 = arith.constant 80 : i32
      %add3A_364 = arith.addi %add3A_313, %add3A_363 : i32
      %get3A_365 = arith.index_cast %add3A_364 : i32 to index
      %get3A_366 = tpu.vector_load %arg5[%get3A_365] {strides = array<i32>} : memref<32768xf32, #tpu.memory_space<vmem>>, vector<16xf32>,
      %eq3A_367 = arith.cmpf oeq, %get3A_366, %gather3A_256 : vector<16xf32>
      %select_n3A_368 = arith.select %eq3A_367, %broadcast_in_dim3A_5, %broadcast_in_dim3A_7 : vector<16xi1>, vector<16xi32>
      %add3A_369 = arith.constant 80 : i32
      %add3A_370 = arith.addi %mul3A_315, %add3A_369 : i32
      %swap3A_371 = arith.index_cast %add3A_370 : i32 to index
      %swap3A_372 = tpu.vector_load %arg7[%swap3A_371] {strides = array<i32>} : memref<16384xi32, #tpu.memory_space<vmem>>, vector<16xi32>,
      tpu.vector_store %arg7[%swap3A_371], %select_n3A_368 {strides = array<i32>} : memref<16384xi32, #tpu.memory_space<vmem>>, vector<16xi32>,
      %add3A_373 = arith.constant 96 : i32
      %add3A_374 = arith.addi %add3A_313, %add3A_373 : i32
      %get3A_375 = arith.index_cast %add3A_374 : i32 to index
      %get3A_376 = tpu.vector_load %arg5[%get3A_375] {strides = array<i32>} : memref<32768xf32, #tpu.memory_space<vmem>>, vector<16xf32>,
      %eq3A_377 = arith.cmpf oeq, %get3A_376, %gather3A_256 : vector<16xf32>
      %select_n3A_378 = arith.select %eq3A_377, %broadcast_in_dim3A_5, %broadcast_in_dim3A_7 : vector<16xi1>, vector<16xi32>
      %add3A_379 = arith.constant 96 : i32
      %add3A_380 = arith.addi %mul3A_315, %add3A_379 : i32
      %swap3A_381 = arith.index_cast %add3A_380 : i32 to index
      %swap3A_382 = tpu.vector_load %arg7[%swap3A_381] {strides = array<i32>} : memref<16384xi32, #tpu.memory_space<vmem>>, vector<16xi32>,
      tpu.vector_store %arg7[%swap3A_381], %select_n3A_378 {strides = array<i32>} : memref<16384xi32, #tpu.memory_space<vmem>>, vector<16xi32>,
      %add3A_383 = arith.constant 112 : i32
      %add3A_384 = arith.addi %add3A_313, %add3A_383 : i32
      %get3A_385 = arith.index_cast %add3A_384 : i32 to index
      %get3A_386 = tpu.vector_load %arg5[%get3A_385] {strides = array<i32>} : memref<32768xf32, #tpu.memory_space<vmem>>, vector<16xf32>,
      %eq3A_387 = arith.cmpf oeq, %get3A_386, %gather3A_256 : vector<16xf32>
      %select_n3A_388 = arith.select %eq3A_387, %broadcast_in_dim3A_5, %broadcast_in_dim3A_7 : vector<16xi1>, vector<16xi32>
      %add3A_389 = arith.constant 112 : i32
      %add3A_390 = arith.addi %mul3A_315, %add3A_389 : i32
      %swap3A_391 = arith.index_cast %add3A_390 : i32 to index
      %swap3A_392 = tpu.vector_load %arg7[%swap3A_391] {strides = array<i32>} : memref<16384xi32, #tpu.memory_space<vmem>>, vector<16xi32>,
      tpu.vector_store %arg7[%swap3A_391], %select_n3A_388 {strides = array<i32>} : memref<16384xi32, #tpu.memory_space<vmem>>, vector<16xi32>,
    }
    %scan3A_288 = arith.constant 128 : i32
    %add3A_289 = arith.constant 3 : i32
    %add3A_290 = arith.addi %mul3A_2, %add3A_289 : i32
    %dma_start3A_291 = arith.constant 16384 : i32
    %dma_start3A_292 = tpu.memref_slice %arg3[%add3A_290, %dma_start3A_291] : memref<128x32768xi32, #tpu.memory_space<hbm>> -> memref<1x16384xi32, #tpu.memory_space<hbm>>
    %dma_start3A_293 = tpu.memref_squeeze %dma_start3A_292 : memref<1x16384xi32, #tpu.memory_space<hbm>> -> memref<16384xi32, #tpu.memory_space<hbm>>
    %dma_start3A_294 = arith.constant 16384 : i32
    %dma_start3A_295 = tpu.memref_slice %arg3[%add3A_290, %dma_start3A_294] : memref<128x32768xi32, #tpu.memory_space<hbm>> -> memref<1x16384xi32, #tpu.memory_space<hbm>>
    %dma_start3A_296 = tpu.memref_squeeze %dma_start3A_295 : memref<1x16384xi32, #tpu.memory_space<hbm>> -> memref<16384xi32, #tpu.memory_space<hbm>>
    tpu.enqueue_dma source(%arg7 : memref<16384xi32, #tpu.memory_space<vmem>>) target(%dma_start3A_296 : memref<16384xi32, #tpu.memory_space<hbm>>) target_semaphore(%arg12 : memref<!tpu.dma_semaphore, #tpu.memory_space<semaphore_mem>>)
    %dma_wait3A_297 = arith.constant 0 : i32
    %dma_wait3A_298 = tpu.memref_slice %arg3[%add3A_270, %dma_wait3A_297] : memref<128x32768xi32, #tpu.memory_space<hbm>> -> memref<1x16384xi32, #tpu.memory_space<hbm>>
    %dma_wait3A_299 = tpu.memref_squeeze %dma_wait3A_298 : memref<1x16384xi32, #tpu.memory_space<hbm>> -> memref<16384xi32, #tpu.memory_space<hbm>>
    %dma_wait3A_300 = arith.constant 0 : i32
    %dma_wait3A_301 = tpu.memref_slice %arg3[%add3A_270, %dma_wait3A_300] : memref<128x32768xi32, #tpu.memory_space<hbm>> -> memref<1x16384xi32, #tpu.memory_space<hbm>>
    %dma_wait3A_302 = tpu.memref_squeeze %dma_wait3A_301 : memref<1x16384xi32, #tpu.memory_space<hbm>> -> memref<16384xi32, #tpu.memory_space<hbm>>
    tpu.wait_dma2 semaphore(%arg11 : memref<!tpu.dma_semaphore, #tpu.memory_space<semaphore_mem>>) src(%arg6 : memref<16384xi32, #tpu.memory_space<vmem>>) dst(%dma_wait3A_302 : memref<16384xi32, #tpu.memory_space<hbm>>)
    %dma_wait3A_303 = arith.constant 16384 : i32
    %dma_wait3A_304 = tpu.memref_slice %arg3[%add3A_290, %dma_wait3A_303] : memref<128x32768xi32, #tpu.memory_space<hbm>> -> memref<1x16384xi32, #tpu.memory_space<hbm>>
    %dma_wait3A_305 = tpu.memref_squeeze %dma_wait3A_304 : memref<1x16384xi32, #tpu.memory_space<hbm>> -> memref<16384xi32, #tpu.memory_space<hbm>>
    %dma_wait3A_306 = arith.constant 16384 : i32
    %dma_wait3A_307 = tpu.memref_slice %arg3[%add3A_290, %dma_wait3A_306] : memref<128x32768xi32, #tpu.memory_space<hbm>> -> memref<1x16384xi32, #tpu.memory_space<hbm>>
    %dma_wait3A_308 = tpu.memref_squeeze %dma_wait3A_307 : memref<1x16384xi32, #tpu.memory_space<hbm>> -> memref<16384xi32, #tpu.memory_space<hbm>>
    tpu.wait_dma2 semaphore(%arg12 : memref<!tpu.dma_semaphore, #tpu.memory_space<semaphore_mem>>) src(%arg7 : memref<16384xi32, #tpu.memory_space<vmem>>) dst(%dma_wait3A_308 : memref<16384xi32, #tpu.memory_space<hbm>>)
    return
  }
}

</mosaic_0001>

<sc_bundles>
// kernel: kernel.3.cloned.1.call-start
scs
__scs_entry_jumppad:
0x0: {  	(pc) =	sbr.rel $0x88, $3  }
0x1: {  	(tag) =	ssettag $0x0;
	lr =	simm.s32 $0x1  }
0x2: {  	[smem:$0x3FA0] =	sst lr;
	_ =	strace $0xD0000000  }
0x3: {  	_ = 	snop  }
0x4: {  	_ = 	snop  }
0x5: {  	_ = 	snop  }
0x6: {  	_ = 	snop  }
0x7: {  	_ = 	snop  }
__scs_overlays_trampoline_lowered:
0x8: {  	[smem:$0x3FAF] =	sst s0  }
0x9: {  	[smem:$0x3FB0] =	sst s1  }
0xa: {  	[smem:$0x3FB1] =	sst s2  }
0xb: {  	[smem:$0x3FB2] =	sst s3  }
0xc: {  	[smem:$0x3FB3] =	sst s4  }
0xd: {  	[smem:$0x3FB4] =	sst s5  }
0xe: {  	[smem:$0x3FB5] =	sst s6  }
0xf: {  	[smem:$0x3FB6] =	sst s7  }
0x10: {  	[smem:$0x3FB7] =	sst s8  }
0x11: {  	[smem:$0x3FB8] =	sst s9;
	s0 =	simm.s32 @!p0 $0x0  }
0x12: {  	s1 =	sld [smem:$0x3F9E];
	s0 =	simm.s32 @p0 $0x1  }
0x13: {  	[smem:$0x3FB9] =	sst s0;
	s0 =	simm.s32 @!p1 $0x0  }
0x14: {  	s2 =	sld [smem:$0x3F9D];
	s0 =	simm.s32 @p1 $0x1  }
0x15: {  	[smem:$0x3FBA] =	sst s0;
	s0 =	simm.s32 @!p2 $0x0  }
0x16: {  	s3 =	sld [smem:$0x3FDB];
	s0 =	simm.s32 @p2 $0x1  }
0x17: {  	s4 =	simm.s32 $0x1BF5;
	[smem:$0x3FBC] =	sst s0  }
0x18: {  	s0 =	sld [smem:$0x3F9F];
	_ =	swait.ge [sflag:s4], $0x0  }
0x19: {  	s7 =	sld [smem:$0x3FA0]  }
0x1a: {  	s8 =	sadd.s32 $0xFFFFE003, lr  }
0x1b: {  	s9 =	sadd.s32 $0xFFFFFEF7, lr;
	s5 =	simm.s32 $0xFFFFFFFF;
	p2 =	slt.u32 s8, $0xFFFFF086  }
0x1c: {  	p1 =	slt.u32 s9, $0xF7A;
	s5 =	simm.s32 @!p2 $0x0  }
0x1d: {  	s5 =	simm.s32 @p1 $0x1;
	p0 =	seq.s32 s7, s2  }
0x1e: {  	s7 =	smul.u32 @!p0 $0xF7A, s2;
	p2 =	seq.s32 @!p0 s5, $0x0  }
0x1f: {  	s9 =	smul.u32 $0xF7A, s1;
	s8 =	simm.s32 @!p0 $0x1BF5;
	p2 =	por !p2, p0  }
0x20: {  	[sflag:s8] =	ssyncset.s32 @!p0 $0xFFFFF086;
	s6 =	sadd.s32 @!p0 s3, s7;
	s7 =	simm.s32 @!p0 $0x108  }
0x21: {  	s3 =	sadd.s32 s3, s9;
	s6 =	sadd.s32 @!p0 $0x88, s6;
	s7 =	simm.s32 @p2 $0x1082  }
0x22: {  	[simem:s7], [sflag:s8] =	dma.local @!p0 [hbm:s6], $0xF7A  }
0x23: {  	s9 =	sor.u32 $0xD0000000, s2;
	s6 =	simm.s32 $0x108;
	_ =	swait.ge @!p0 [sflag:s8], $0x0  }
0x24: {  	s3 =	sadd.s32 $0x88, s3;
	s6 =	simm.s32 @!p1 $0x1082;
	[sflag:s4] =	ssyncset.s32 $0xFFFFF086  }
0x25: {  	[simem:s6], [sflag:s4] =	dma.local [hbm:s3], $0xF7A  }
0x26: {  	[smem:$0x3FA0] =	sst s1;
	(tag) =	ssettag s2;
	_ =	strace s9  }
0x27: {  	s1 =	sld [smem:$0x3FB0]  }
0x28: {  	s2 =	sld [smem:$0x3FB1]  }
0x29: {  	s4 =	sld [smem:$0x3FB3]  }
0x2a: {  	p0 =	seq.s32 s5, $0x0;
	s5 =	sld [smem:$0x3FB4]  }
0x2b: {  	s6 =	sld [smem:$0x3FB5]  }
0x2c: {  	s7 =	sld [smem:$0x3FB6]  }
0x2d: {  	s3 =	simm.s32 $0x108;
	s8 =	sld [smem:$0x3FB7]  }
0x2e: {  	s3 =	simm.s32 @!p0 $0x1082;
	s9 =	sld [smem:$0x3FB8]  }
0x2f: {  	lr =	sadd.s32 s0, s3;
	s0 =	sld [smem:$0x3FAF]  }
0x30: {  	s3 =	sld [smem:$0x3FB2]  }
0x31: {  	[smem:$0x3FBB] =	sst s10  }
0x32: {  	s10 =	sld [smem:$0x3FB9];
	_ =	sdelay $0x3  }
0x33: {  	p0 =	seq.s32 s10, $0x1;
	s10 =	sld [smem:$0x3FBB];
	_ =	sdelay $0x3  }
0x34: {  	[smem:$0x3FBB] =	sst s10  }
0x35: {  	s10 =	sld [smem:$0x3FBA];
	_ =	sdelay $0x3  }
0x36: {  	p1 =	seq.s32 s10, $0x1;
	s10 =	sld [smem:$0x3FBB];
	_ =	sdelay $0x3  }
0x37: {  	[smem:$0x3FBB] =	sst s10  }
0x38: {  	s10 =	sld [smem:$0x3FBC]  }
0x39: {  	_ = 	snop;
	(pc) =	sbr.ind lr, $3  }
0x3a: {  	_ = 	snop  }
0x3b: {  	_ = 	snop  }
0x3c: {  	p2 =	seq.s32 s10, $0x1;
	s10 =	sld [smem:$0x3FBB]  }
0x3d: {  	_ =	shalt  }
0x3e: {  	_ =	shalt  }
0x3f: {  	_ =	shalt  }
0x40: {  	_ =	shalt  }
0x41: {  	_ =	shalt  }
0x42: {  	_ =	shalt  }
0x43: {  	_ =	shalt  }
0x44: {  	_ =	shalt  }
0x45: {  	_ =	shalt  }
0x46: {  	_ =	shalt  }
0x47: {  	_ =	shalt  }
0x48: {  	_ =	shalt  }
0x49: {  	_ =	shalt  }
0x4a: {  	_ =	shalt  }
0x4b: {  	_ =	shalt  }
0x4c: {  	_ =	shalt  }
0x4d: {  	_ =	shalt  }
0x4e: {  	_ =	shalt  }
0x4f: {  	_ =	shalt  }
0x50: {  	_ =	shalt  }
0x51: {  	_ =	shalt  }
0x52: {  	_ =	shalt  }
0x53: {  	_ =	shalt  }
0x54: {  	_ =	shalt  }
0x55: {  	_ =	shalt  }
0x56: {  	_ =	shalt  }
0x57: {  	_ =	shalt  }
0x58: {  	_ =	shalt  }
0x59: {  	_ =	shalt  }
0x5a: {  	_ =	shalt  }
0x5b: {  	_ =	shalt  }
0x5c: {  	_ =	shalt  }
0x5d: {  	_ =	shalt  }
0x5e: {  	_ =	shalt  }
0x5f: {  	_ =	shalt  }
0x60: {  	_ =	shalt  }
0x61: {  	_ =	shalt  }
0x62: {  	_ =	shalt  }
0x63: {  	_ =	shalt  }
0x64: {  	_ =	shalt  }
0x65: {  	_ =	shalt  }
0x66: {  	_ =	shalt  }
0x67: {  	_ =	shalt  }
0x68: {  	_ =	shalt  }
0x69: {  	_ =	shalt  }
0x6a: {  	_ =	shalt  }
0x6b: {  	_ =	shalt  }
0x6c: {  	_ =	shalt  }
0x6d: {  	_ =	shalt  }
0x6e: {  	_ =	shalt  }
0x6f: {  	_ =	shalt  }
0x70: {  	_ =	shalt  }
0x71: {  	_ =	shalt  }
0x72: {  	_ =	shalt  }
0x73: {  	_ =	shalt  }
0x74: {  	_ =	shalt  }
0x75: {  	_ =	shalt  }
0x76: {  	_ =	shalt  }
0x77: {  	_ =	shalt  }
0x78: {  	_ =	shalt  }
0x79: {  	_ =	shalt  }
0x7a: {  	_ =	shalt  }
0x7b: {  	_ =	shalt  }
0x7c: {  	_ =	shalt  }
0x7d: {  	_ =	shalt  }
0x7e: {  	_ =	shalt  }
0x7f: {  	_ =	shalt  }
0x80: {  	_ =	shalt  }
0x81: {  	_ =	shalt  }
0x82: {  	_ =	shalt  }
0x83: {  	_ =	shalt  }
0x84: {  	_ =	shalt  }
0x85: {  	_ =	shalt  }
0x86: {  	_ =	shalt  }
0x87: {  	_ =	shalt  }
.Lfunc_end0:
.L_simem_size_0:
called_computation_lowered:
.L_overlay_start_0:
0x88: {  	s2 =	sld [smem:$0x3FD9]  }
0x89: {  	s3 =	sld [smem:$0x3FFE];
	_ =	sdelay $0x1  }
0x8a: {  	s1 =	srdreg.scid  }
0x8b: {  	s0 =	sand.u32 $0x1, s1  }
0x8c: {  	s18 =	sshll.u32 s0, $0xA;
	s2 =	sadd.s32 s3, s2  }
0x8d: {  	s2 =	sadd.s32 s2, s18  }
0x8e: {  	[smem:$0x3FC7] =	sst s2  }
0x8f: {  	_ = 	snop  }
0x90: {  	s2 =	sld [smem:$0x3FC9]  }
0x91: {  	s19 =	sld [smem:$0x3FD0];
	(tm) =	ssettm $0x1  }
0x92: {  	s4 =	sld [smem:$0x3FFB];
	_ =	sdelay $0x3  }
0x93: {  	_ =	strace s4  }
0x94: {  	s4 =	sld [smem:$0x3FFC];
	_ =	sdelay $0x3  }
0x95: {  	_ =	strace s4  }
0x96: {  	s4 =	sld [smem:$0x3FFD];
	_ =	sdelay $0x3  }
0x97: {  	_ =	strace s4  }
0x98: {  	_ =	strace $0x8FFFFFFF  }
0x99: {  	s20 =	sld [smem:$0x3FDB];
	_ =	sdelay $0x1  }
0x9a: {  	s5 =	simm.s32 $_scs_section_size  }
0x9b: {  	s6 =	simm.s32 $_size__tile_overlayer_lowered;
	s7 =	simm.s32 $_tile_overlayer_lowered  }
0x9c: {  	s23 =	simm.s32 $0x1BFF;
	s22 =	sshll.u32 s7, $0x1;
	s4 =	sadd.s32 s5, s20  }
0x9d: {  	s8 =	simm.s32 $0x0;
	s21 =	sshll.u32 s6, $0x1;
	s6 =	sadd.s32 s22, s4  }
0x9e: {  	[timem:s8], [sflag:s23] =	dma.local [hbm:s6], s21  }
0x9f: {  	_ =	swait.ge [sflag:s23], s21  }
0xa0: {  	s5 =	ssub.s32 $0x0, s21;
	[sflag:s23] =	ssyncset.done $0x0  }
0xa1: {  	[sflag:s23] =	ssyncadd.s32 s5;
	_ =	sdelay $0x1  }
0xa2: {  	s24 =	simm.s32 $0x1B8B  }
0xa3: {  	_ =	swait.ge [sflag:s24], $0x1  }
0xa4: {  	[sflag:s24] =	ssyncset.done $0x0  }
0xa5: {  	s25 =	simm.s32 $0x1B8E;
	[sflag:s24] =	ssyncadd.s32 $0xFFFFFFFF  }
0xa6: {  	s26 =	simm.s32 $execute0_lowered;
	[smem:$0x3FD2] =	sst s25  }
0xa7: {  	s5 =	sshll.u32 s26, $0x1;
	_ =	strace $0x80000046;
	[dreg:$0x1] =	wrdreg $0xFFFFFFFF  }
0xa8: {  	s28 =	simm.s32 $_size_execute0_lowered;
	s4 =	sadd.s32 s4, s5;
	[dreg:$0x0] =	wrdreg $0x0  }
0xa9: {  	s5 =	sshll.u32 s28, $0x1;
	[dreg:$0x2] =	wrdreg s4  }
0xaa: {  	[dreg:$0x3] =	wrdreg s5  }
0xab: {  	[dreg:$0x4] =	wrdreg $0xC0  }
0xac: {  	_ =	task [dreg:s8], $0x5FFFF  }
0xad: {  	[dreg:$0x1] =	wrdreg $0xFFFFFFFF  }
0xae: {  	[dreg:$0x0] =	wrdreg $0x60  }
0xaf: {  	[dreg:$0x2] =	wrdreg s2  }
0xb0: {  	[dreg:$0x3] =	wrdreg s19  }
0xb1: {  	[dreg:$0x4] =	wrdreg $0x9  }
0xb2: {  	_ =	task.clear_ibuf [dreg:s8], $0x5FFFF;
	_ =	strace $0x90000046  }
0xb3: {  	s29 =	simm.s32 $0x9;
	_ =	strace $0x80000048  }
0xb4: {  	_ =	swait.ge [sflag:s29], $0x1  }
0xb5: {  	[sflag:s29] =	ssyncadd.s32 $0xFFFFFFFF  }
0xb6: {  	_ =	strace $0x90000048  }
0xb7: {  	_ =	sfence  }
0xb8: {  	s30 =	sld [smem:$0x0];
	_ =	sdelay $0x2  }
0xb9: {  	s31 =	sshll.u32 s1, $0xD;
	s1 =	sshrl.u32 s1, $0x2  }
0xba: {  	s3 =	sand.u32 $0x4000, s31;
	s1 =	sadd.s32 s1, s30  }
0xbb: {  	s0 =	sor.u32 s3, s0;
	s1 =	sshll.u32 s1, $0x11  }
0xbc: {  	s0 =	sor.u32 s1, s0  }
0xbd: {  	s0 =	sadd.s32 $0x8F2B, s0  }
0xbe: {  	[sflag:s0] =	ssyncadd.remote.s32 $0x1  }
0xbf: {  	_ =	sfence.sel $0xFFFF  }
0xc0: {  	[dreg:$0x0] =	wrdreg $0xFFFFFFFF;
	(pc) =	sbr.abs _section_cstart, $3  }
0xc1: {  	[dreg:$0x1] =	wrdreg $0xFFFFFFFF  }
0xc2: {  	_ =	task.clear_ibuf [dreg:s8], $0x2FFFF;
	_ =	strace $0x9FFFFFFF  }
0xc3: {  	(tm) =	ssettm $0x7FFFFFFF  }
tec
execute0_lowered:
.L_overlay_start_1:
0x0: {  	(tag) =	ssettag $0x1  }
0x1: {  	s10 =	rddreg [dreg:$0x0]  }
0x2: {  	s13 =	rddreg [dreg:$0x1]  }
0x3: {  	s0 =	rddreg [dreg:$0x2];
	s3 =	srdreg.scid  }
0x4: {  	s2 =	simm.s32 $0x0;
	s1 =	stileid.u32;
	s17 =	simm.s32 $0x400  }
0x5: {  	s18 =	simm.s32 $0x1;
	s19 =	simm.s32 $0x8000;
	s20 =	simm.s32 $0x18000  }
0x6: {  	s21 =	simm.s32 $0x10000;
	s22 =	simm.s32 $0x14000;
	s23 =	simm.s32 $0x2  }
0x7: {  	s24 =	simm.s32 $0x3;
	s25 =	simm.s32 $0x4;
	s26 =	simm.s32 $0x0  }
0x8: {  	s3 =	sand.u32 $0x1, s3;
	s5 =	sshll.u32 s1, $0xF;
	[smem:$0x7FF] =	sst s2  }
0x9: {  	s14 =	sadd.s32 $0x4000, s13;
	s4 =	ssub.s32 $0x2, s3;
	s3 =	sshll.u32 s3, $0x6  }
0xa: {  	_ =	strace $0x80000047;
	s6 =	sshrl.u32 s4, $0x1;
	s9 =	sor.u32 s3, s5  }
0xb: {  	s15 =	ssub.s32 s4, s6;
	s11 =	sor.u32 $0x10, s9;
	s3 =	sadd.s32 s10, s9  }
0xc: {  	s5 =	sadd.s32 s13, s9;
	s6 =	sadd.s32 s9, s14;
	s12 =	sor.u32 $0x20, s9  }
0xd: {  	s16 =	sor.u32 $0x30, s9;
	s4 =	sadd.s32 s10, s11;
	s7 =	sadd.s32 s10, s12  }
0xe: {  	s8 =	sadd.s32 s13, s11;
	s9 =	sadd.s32 s11, s14;
	s10 =	sadd.s32 s10, s16  }
0xf: {  	s11 =	sadd.s32 s13, s12;
	s12 =	sadd.s32 s12, s14;
	s13 =	sadd.s32 s13, s16  }
0x10: {  	v0 =	vimm.s32 $0xF;
	v1 =	vimm.s32 $0x0;
	s14 =	sadd.s32 s16, s14;
	s15 =	smax.u32 s15, $0x1;
	s16 =	simm.s32 $0x80  }
.LBB2_1:
0x11: {  	[tilespmem:s2], [sflag:$0x1] =	stream.strided.gather [hbm4b:s3+s16], $0x8000, s17, s16, $0x38;
	[tilespmem:$0x18080] =	vst v63  }
0x12: {  	_ =	swait.ge [sflag:s18], $0x8000  }
0x13: {  	[sflag:s18] =	ssyncset.done $0x0  }
0x14: {  	s30 =	simm.s32 $0x0;
	[sflag:s18] =	ssyncadd.s32 $0xFFFF8000  }
0x15: {  	[tilespmem:s19], [sflag:$0x2] =	stream.strided.gather [hbm4b:s4+s16], $0x8000, s17, s16, $0x38;
	[tilespmem:$0x18080] =	vst v63  }
0x16: {  	v2 =	vld [tilespmem:s30+$0x70]  }
0x17: {  	v3 =	vld [tilespmem:s30+$0x0]  }
0x18: {  	v5 =	vld [tilespmem:s30+$0x10]  }
0x19: {  	v14 =	vld [tilespmem:s30+$0x20]  }
0x1a: {  	v12 =	vld [tilespmem:s30+$0x30]  }
0x1b: {  	v4 =	vimm.f32 $-Inf;
	v7 =	vimm.f32 $-Inf;
	v6 =	vld [tilespmem:s30+$0x40]  }
0x1c: {  	v8 =	vimm.f32 $-Inf;
	v9 =	vld [tilespmem:s30+$0x50];
	v2 =	vmax.f32 v4, v2;
	v10 =	vmax.f32 v4, v3  }
0x1d: {  	s28 =	simm.s32 $0x80;
	s29 =	simm.s32 $0x400;
	v13 =	vld [tilespmem:s30+$0x60];
	v11 =	vmax.f32 v4, v5;
	v5 =	vimm.f32 $-Inf;
	v3 =	vimm.f32 $-Inf  }
.LBB2_2:
0x1e: {  	p0 =	sne.s32 s29, $0x1FE00;
	v15 =	vld [tilespmem:s28+$0x70];
	v4 =	vmax.f32 v4, v14  }
0x1f: {  	v16 =	vld [tilespmem:s28+$0x0];
	v7 =	vmax.f32 v7, v12  }
0x20: {  	v17 =	vld [tilespmem:s28+$0x10];
	v8 =	vmax.f32 v8, v6  }
.Ltmp0:
0x21: {  	v14 =	vld [tilespmem:s28+$0x20];
	v5 =	vmax.f32 v5, v9;
	(pc) =	sbr.rel @p0 .LBB2_2-.Ltmp0, $4  }
0x22: {  	v12 =	vld [tilespmem:s28+$0x30];
	v3 =	vmax.f32 v3, v13  }
0x23: {  	v6 =	vld [tilespmem:s28+$0x40];
	v2 =	vmax.f32 v2, v15  }
0x24: {  	v10 =	vmax.f32 v10, v16;
	v9 =	vld [tilespmem:s28+$0x50]  }
0x25: {  	v11 =	vmax.f32 v11, v17;
	v13 =	vld [tilespmem:s28+$0x60];
	s28 =	sshra.s32 s29, $0x2;
	s29 =	sadd.s32 $0x200, s29  }
0x26: {  	v15 =	vld [tilespmem:s28+$0x0]  }
0x27: {  	v16 =	vld [tilespmem:s28+$0x10]  }
0x28: {  	v17 =	vld [tilespmem:s28+$0x20]  }
0x29: {  	v18 =	vld [tilespmem:s28+$0x30]  }
0x2a: {  	v19 =	vld [tilespmem:s28+$0x40]  }
0x2b: {  	v20 =	vld [tilespmem:s28+$0x50]  }
0x2c: {  	v4 =	vmax.f32 v4, v14;
	v63 =	vld [tilespmem:s28+$0x60];
	v10 =	vmax.f32 v10, v15;
	v11 =	vmax.f32 v11, v16  }
0x2d: {  	v7 =	vmax.f32 v7, v12;
	v4 =	vmax.f32 v4, v17;
	v10 =	vmax.f32 v10, v11;
	v11 =	vld [tilespmem:s28+$0x70]  }
0x2e: {  	v6 =	vmax.f32 v8, v6;
	v7 =	vmax.f32 v7, v18;
	v4 =	vmax.f32 v10, v4  }
0x2f: {  	v5 =	vmax.f32 v5, v9;
	v6 =	vmax.f32 v6, v19;
	v4 =	vmax.f32 v4, v7  }
0x30: {  	v3 =	vmax.f32 v3, v13;
	v5 =	vmax.f32 v5, v20;
	v4 =	vmax.f32 v4, v6  }
0x31: {  	v3 =	vmax.f32 v3, v63;
	v4 =	vmax.f32 v4, v5  }
0x32: {  	v2 =	vmax.f32 v2, v11;
	v3 =	vmax.f32 v4, v3  }
0x33: {  	v2 =	vmax.f32 v3, v2  }
0x34: {  	(xrf1) =	vsort.ascd.msk.f32 $0xffff, v2, v2;
	_ =	sdelay $0xd  }
0x35: {  	v2, _, _ =	vpop (xrf1)  }
0x36: {  	[tilespmem:$0x18000] =	vst v2  }
0x37: {  	s29 =	simm.s32 $0x0;
	v2 =	vld.idx.msk [tilespmem:v0+s20+$0x0], $0xffff  }
0x38: {  	v3 =	vld [tilespmem:s29+$0x70]  }
0x39: {  	v5 =	vld [tilespmem:s29+$0x0]  }
0x3a: {  	v9 =	vld [tilespmem:s29+$0x10]  }
0x3b: {  	v7 =	vld [tilespmem:s29+$0x20]  }
0x3c: {  	v6 =	vld [tilespmem:s29+$0x30]  }
0x3d: {  	v4 =	vld [tilespmem:s29+$0x40];
	vm0 =	veq.f32 v3, v2  }
0x3e: {  	v3 =	vld [tilespmem:s29+$0x50];
	vm1 =	veq.f32 v5, v2;
	v10 =	vsel vm0, $0x1, v1  }
0x3f: {  	s30 =	simm.s32 $0x400;
	s28 =	simm.s32 $0x80;
	v5 =	vld [tilespmem:s29+$0x60];
	v8 =	vsel vm1, $0x1, v1;
	vm0 =	veq.f32 v9, v2;
	[tilespmem:s29+$0x10070] =	vst v10  }
.LBB2_4:
0x40: {  	p0 =	sne.s32 s30, $0xFE00;
	v9 =	vld [tilespmem:s28+$0x70];
	[tilespmem:s29+$0x10000] =	vst v8;
	v8 =	vsel vm0, $0x1, v1;
	vm0 =	veq.f32 v7, v2  }
0x41: {  	v10 =	vld [tilespmem:s28+$0x0];
	[tilespmem:s29+$0x10010] =	vst v8;
	v7 =	vsel vm0, $0x1, v1;
	vm0 =	veq.f32 v6, v2  }
0x42: {  	v11 =	vld [tilespmem:s28+$0x10];
	[tilespmem:s29+$0x10020] =	vst v7;
	v6 =	vsel vm0, $0x1, v1;
	vm0 =	veq.f32 v4, v2  }
.Ltmp1:
0x43: {  	v7 =	vld [tilespmem:s28+$0x20];
	[tilespmem:s29+$0x10030] =	vst v6;
	v4 =	vsel vm0, $0x1, v1;
	vm0 =	veq.f32 v3, v2;
	(pc) =	sbr.rel @p0 .LBB2_4-.Ltmp1, $4  }
0x44: {  	v6 =	vld [tilespmem:s28+$0x30];
	[tilespmem:s29+$0x10040] =	vst v4;
	v3 =	vsel vm0, $0x1, v1;
	vm0 =	veq.f32 v5, v2  }
0x45: {  	v4 =	vld [tilespmem:s28+$0x40];
	vm1 =	veq.f32 v9, v2;
	[tilespmem:s29+$0x10050] =	vst v3;
	v5 =	vsel vm0, $0x1, v1  }
0x46: {  	vm0 =	veq.f32 v10, v2;
	v3 =	vld [tilespmem:s28+$0x50];
	v9 =	vsel vm1, $0x1, v1;
	[tilespmem:s29+$0x10060] =	vst v5;
	s29 =	smov.u32 s28  }
0x47: {  	s28 =	sshra.s32 s30, $0x2;
	s30 =	sadd.s32 $0x200, s30;
	v8 =	vsel vm0, $0x1, v1;
	vm0 =	veq.f32 v11, v2;
	v5 =	vld [tilespmem:s29+$0x60];
	[tilespmem:s29+$0x10070] =	vst v9  }
0x48: {  	v9 =	vld [tilespmem:s28+$0x70];
	[tilespmem:s29+$0x10000] =	vst v8;
	v8 =	vsel vm0, $0x1, v1;
	vm0 =	veq.f32 v7, v2  }
0x49: {  	v10 =	vld [tilespmem:s28+$0x0];
	[tilespmem:s29+$0x10010] =	vst v8;
	v7 =	vsel vm0, $0x1, v1;
	vm0 =	veq.f32 v6, v2  }
0x4a: {  	v8 =	vld [tilespmem:s28+$0x10];
	[tilespmem:s29+$0x10020] =	vst v7;
	v6 =	vsel vm0, $0x1, v1;
	vm0 =	veq.f32 v4, v2  }
0x4b: {  	v7 =	vld [tilespmem:s28+$0x20];
	[tilespmem:s29+$0x10030] =	vst v6;
	v4 =	vsel vm0, $0x1, v1;
	vm0 =	veq.f32 v3, v2  }
0x4c: {  	v6 =	vld [tilespmem:s28+$0x30];
	[tilespmem:s29+$0x10040] =	vst v4;
	v3 =	vsel vm0, $0x1, v1;
	vm0 =	veq.f32 v5, v2  }
0x4d: {  	v4 =	vld [tilespmem:s28+$0x40];
	[tilespmem:s29+$0x10050] =	vst v3;
	v3 =	vsel vm0, $0x1, v1;
	vm0 =	veq.f32 v9, v2  }
0x4e: {  	v5 =	vld [tilespmem:s28+$0x50];
	[tilespmem:s29+$0x10060] =	vst v3;
	vm1 =	veq.f32 v10, v2;
	v3 =	vsel vm0, $0x1, v1  }
0x4f: {  	v9 =	vld [tilespmem:s28+$0x60];
	vm0 =	veq.f32 v8, v2;
	v8 =	vsel vm1, $0x1, v1;
	[tilespmem:s28+$0x10070] =	vst v3  }
0x50: {  	[tilespmem:s28+$0x10000] =	vst v8;
	v3 =	vsel vm0, $0x1, v1;
	vm0 =	veq.f32 v7, v2  }
0x51: {  	[tilespmem:s28+$0x10010] =	vst v3;
	v3 =	vsel vm0, $0x1, v1;
	vm0 =	veq.f32 v6, v2  }
0x52: {  	[tilespmem:s28+$0x10020] =	vst v3;
	v3 =	vsel vm0, $0x1, v1;
	vm0 =	veq.f32 v4, v2  }
0x53: {  	[tilespmem:s28+$0x10030] =	vst v3;
	v3 =	vsel vm0, $0x1, v1;
	vm0 =	veq.f32 v5, v2  }
0x54: {  	[tilespmem:s28+$0x10040] =	vst v3;
	v3 =	vsel vm0, $0x1, v1;
	vm0 =	veq.f32 v9, v2  }
0x55: {  	[tilespmem:s28+$0x10050] =	vst v3;
	v3 =	vsel vm0, $0x1, v1  }
0x56: {  	s29 =	simm.s32 $0x0;
	[tilespmem:s28+$0x10060] =	vst v3  }
0x57: {  	[hbm4b:s5+s16] =	stream.strided.scatter [tilespmem:s21], [sflag:$0x3], $0x4000, s17, s16, $0x38;
	[tilespmem:$0x18080] =	vst v63  }
0x58: {  	v3 =	vld [tilespmem:s29+$0x4070]  }
0x59: {  	v5 =	vld [tilespmem:s29+$0x4000]  }
0x5a: {  	v8 =	vld [tilespmem:s29+$0x4010]  }
0x5b: {  	v7 =	vld [tilespmem:s29+$0x4020]  }
0x5c: {  	v6 =	vld [tilespmem:s29+$0x4030]  }
0x5d: {  	v4 =	vld [tilespmem:s29+$0x4040];
	vm0 =	veq.f32 v3, v2  }
0x5e: {  	v3 =	vld [tilespmem:s29+$0x4050];
	vm1 =	veq.f32 v5, v2;
	v9 =	vsel vm0, $0x1, v1  }
0x5f: {  	s30 =	simm.s32 $0x400;
	s28 =	simm.s32 $0x80;
	v5 =	vld [tilespmem:s29+$0x4060];
	vm0 =	veq.f32 v8, v2;
	v8 =	vsel vm1, $0x1, v1;
	[tilespmem:s29+$0x14070] =	vst v9  }
.LBB2_6:
0x60: {  	p0 =	sne.s32 s30, $0xFE00;
	v9 =	vld [tilespmem:s28+$0x4070];
	[tilespmem:s29+$0x14000] =	vst v8;
	v8 =	vsel vm0, $0x1, v1;
	vm0 =	veq.f32 v7, v2  }
0x61: {  	v10 =	vld [tilespmem:s28+$0x4000];
	[tilespmem:s29+$0x14010] =	vst v8;
	v7 =	vsel vm0, $0x1, v1;
	vm0 =	veq.f32 v6, v2  }
0x62: {  	v11 =	vld [tilespmem:s28+$0x4010];
	[tilespmem:s29+$0x14020] =	vst v7;
	v6 =	vsel vm0, $0x1, v1;
	vm0 =	veq.f32 v4, v2  }
.Ltmp2:
0x63: {  	v7 =	vld [tilespmem:s28+$0x4020];
	[tilespmem:s29+$0x14030] =	vst v6;
	v4 =	vsel vm0, $0x1, v1;
	vm0 =	veq.f32 v3, v2;
	(pc) =	sbr.rel @p0 .LBB2_6-.Ltmp2, $4  }
0x64: {  	v6 =	vld [tilespmem:s28+$0x4030];
	[tilespmem:s29+$0x14040] =	vst v4;
	v3 =	vsel vm0, $0x1, v1;
	vm0 =	veq.f32 v5, v2  }
0x65: {  	v4 =	vld [tilespmem:s28+$0x4040];
	vm1 =	veq.f32 v9, v2;
	[tilespmem:s29+$0x14050] =	vst v3;
	v5 =	vsel vm0, $0x1, v1  }
0x66: {  	vm0 =	veq.f32 v10, v2;
	v3 =	vld [tilespmem:s28+$0x4050];
	v9 =	vsel vm1, $0x1, v1;
	[tilespmem:s29+$0x14060] =	vst v5;
	s29 =	smov.u32 s28  }
0x67: {  	s28 =	sshra.s32 s30, $0x2;
	s30 =	sadd.s32 $0x200, s30;
	v8 =	vsel vm0, $0x1, v1;
	vm0 =	veq.f32 v11, v2;
	v5 =	vld [tilespmem:s29+$0x4060];
	[tilespmem:s29+$0x14070] =	vst v9  }
0x68: {  	v9 =	vld [tilespmem:s28+$0x4070];
	[tilespmem:s29+$0x14000] =	vst v8;
	v8 =	vsel vm0, $0x1, v1;
	vm4 =	veq.f32 v7, v2  }
0x69: {  	v10 =	vld [tilespmem:s28+$0x4000];
	[tilespmem:s29+$0x14010] =	vst v8;
	v7 =	vsel vm4, $0x1, v1;
	vm5 =	veq.f32 v6, v2  }
0x6a: {  	v8 =	vld [tilespmem:s28+$0x4010];
	[tilespmem:s29+$0x14020] =	vst v7;
	v6 =	vsel vm5, $0x1, v1;
	vm6 =	veq.f32 v4, v2  }
0x6b: {  	v7 =	vld [tilespmem:s28+$0x4020];
	[tilespmem:s29+$0x14030] =	vst v6;
	v4 =	vsel vm6, $0x1, v1;
	vm7 =	veq.f32 v3, v2  }
0x6c: {  	v6 =	vld [tilespmem:s28+$0x4030];
	[tilespmem:s29+$0x14040] =	vst v4;
	v3 =	vsel vm7, $0x1, v1;
	vm8 =	veq.f32 v5, v2  }
0x6d: {  	v4 =	vld [tilespmem:s28+$0x4040];
	[tilespmem:s29+$0x14050] =	vst v3;
	v3 =	vsel vm8, $0x1, v1;
	vm9 =	veq.f32 v9, v2  }
0x6e: {  	v5 =	vld [tilespmem:s28+$0x4050];
	[tilespmem:s29+$0x14060] =	vst v3;
	vm1 =	veq.f32 v10, v2;
	v3 =	vsel vm9, $0x1, v1  }
0x6f: {  	v9 =	vld [tilespmem:s28+$0x4060];
	v10 =	vsel vm1, $0x1, v1;
	vm10 =	veq.f32 v8, v2;
	[tilespmem:s28+$0x14070] =	vst v3  }
0x70: {  	[tilespmem:s28+$0x14000] =	vst v10;
	v3 =	vsel vm10, $0x1, v1;
	vm11 =	veq.f32 v7, v2  }
0x71: {  	[tilespmem:s28+$0x14010] =	vst v3;
	v3 =	vsel vm11, $0x1, v1;
	vm12 =	veq.f32 v6, v2  }
0x72: {  	[tilespmem:s28+$0x14020] =	vst v3;
	v3 =	vsel vm12, $0x1, v1;
	vm13 =	veq.f32 v4, v2  }
0x73: {  	[tilespmem:s28+$0x14030] =	vst v3;
	v3 =	vsel vm13, $0x1, v1;
	vm14 =	veq.f32 v5, v2  }
0x74: {  	[tilespmem:s28+$0x14040] =	vst v3;
	v3 =	vsel vm14, $0x1, v1;
	vm15 =	veq.f32 v9, v2  }
0x75: {  	[tilespmem:s28+$0x14050] =	vst v3;
	v2 =	vsel vm15, $0x1, v1  }
0x76: {  	[tilespmem:s28+$0x14060] =	vst v2  }
0x77: {  	[hbm4b:s6+s16] =	stream.strided.scatter [tilespmem:s22], [sflag:$0x4], $0x4000, s17, s16, $0x38;
	[tilespmem:$0x18080] =	vst v63  }
0x78: {  	_ =	swait.ge [sflag:s23], $0x8000  }
0x79: {  	[sflag:s23] =	ssyncset.done $0x0  }
0x7a: {  	s30 =	simm.s32 $0x0;
	s28 =	simm.s32 $0x0;
	[sflag:s23] =	ssyncadd.s32 $0xFFFF8000  }
0x7b: {  	[tilespmem:s28], [sflag:$0x1] =	stream.strided.gather [hbm4b:s7+s16], $0x8000, s17, s16, $0x38;
	[tilespmem:$0x18080] =	vst v63  }
0x7c: {  	v2 =	vld [tilespmem:s30+$0x8070]  }
0x7d: {  	v3 =	vld [tilespmem:s30+$0x8000]  }
0x7e: {  	v5 =	vld [tilespmem:s30+$0x8010]  }
0x7f: {  	v14 =	vld [tilespmem:s30+$0x8020]  }
0x80: {  	v12 =	vld [tilespmem:s30+$0x8030]  }
0x81: {  	v8 =	vimm.f32 $-Inf;
	v4 =	vimm.f32 $-Inf;
	v6 =	vld [tilespmem:s30+$0x8040]  }
0x82: {  	v7 =	vimm.f32 $-Inf;
	v9 =	vld [tilespmem:s30+$0x8050];
	v2 =	vmax.f32 v4, v2;
	v10 =	vmax.f32 v4, v3  }
0x83: {  	s29 =	simm.s32 $0x400;
	s28 =	simm.s32 $0x80;
	v13 =	vld [tilespmem:s30+$0x8060];
	v11 =	vmax.f32 v4, v5;
	v5 =	vimm.f32 $-Inf;
	v3 =	vimm.f32 $-Inf  }
.LBB2_8:
0x84: {  	p0 =	sne.s32 s29, $0x1FE00;
	v15 =	vld [tilespmem:s28+$0x8070];
	v4 =	vmax.f32 v4, v14  }
0x85: {  	v16 =	vld [tilespmem:s28+$0x8000];
	v7 =	vmax.f32 v7, v12  }
0x86: {  	v17 =	vld [tilespmem:s28+$0x8010];
	v8 =	vmax.f32 v8, v6  }
.Ltmp3:
0x87: {  	v14 =	vld [tilespmem:s28+$0x8020];
	v5 =	vmax.f32 v5, v9;
	(pc) =	sbr.rel @p0 .LBB2_8-.Ltmp3, $4  }
0x88: {  	v12 =	vld [tilespmem:s28+$0x8030];
	v3 =	vmax.f32 v3, v13  }
0x89: {  	v6 =	vld [tilespmem:s28+$0x8040];
	v2 =	vmax.f32 v2, v15  }
0x8a: {  	v10 =	vmax.f32 v10, v16;
	v9 =	vld [tilespmem:s28+$0x8050]  }
0x8b: {  	v11 =	vmax.f32 v11, v17;
	v13 =	vld [tilespmem:s28+$0x8060];
	s28 =	sshra.s32 s29, $0x2;
	s29 =	sadd.s32 $0x200, s29  }
0x8c: {  	v15 =	vld [tilespmem:s28+$0x8000]  }
0x8d: {  	v16 =	vld [tilespmem:s28+$0x8010]  }
0x8e: {  	v17 =	vld [tilespmem:s28+$0x8020]  }
0x8f: {  	v18 =	vld [tilespmem:s28+$0x8030]  }
0x90: {  	v19 =	vld [tilespmem:s28+$0x8040]  }
0x91: {  	v20 =	vld [tilespmem:s28+$0x8050]  }
0x92: {  	v4 =	vmax.f32 v4, v14;
	v63 =	vld [tilespmem:s28+$0x8060];
	v10 =	vmax.f32 v10, v15;
	v11 =	vmax.f32 v11, v16  }
0x93: {  	v7 =	vmax.f32 v7, v12;
	v4 =	vmax.f32 v4, v17;
	v10 =	vmax.f32 v10, v11;
	v11 =	vld [tilespmem:s28+$0x8070]  }
0x94: {  	v6 =	vmax.f32 v8, v6;
	v7 =	vmax.f32 v7, v18;
	v4 =	vmax.f32 v10, v4  }
0x95: {  	v5 =	vmax.f32 v5, v9;
	v6 =	vmax.f32 v6, v19;
	v4 =	vmax.f32 v4, v7  }
0x96: {  	v3 =	vmax.f32 v3, v13;
	v5 =	vmax.f32 v5, v20;
	v4 =	vmax.f32 v4, v6  }
0x97: {  	v3 =	vmax.f32 v3, v63;
	v4 =	vmax.f32 v4, v5  }
0x98: {  	v2 =	vmax.f32 v2, v11;
	v3 =	vmax.f32 v4, v3  }
0x99: {  	v2 =	vmax.f32 v3, v2  }
0x9a: {  	(xrf1) =	vsort.ascd.msk.f32 $0xffff, v2, v2;
	_ =	sdelay $0xd  }
0x9b: {  	v2, _, _ =	vpop (xrf1)  }
0x9c: {  	[tilespmem:$0x18000] =	vst v2  }
0x9d: {  	v2 =	vld.idx.msk [tilespmem:v0+s20+$0x0], $0xffff;
	_ =	swait.ge [sflag:s24], $0x4000  }
0x9e: {  	[sflag:s24] =	ssyncset.done $0x0  }
0x9f: {  	s29 =	simm.s32 $0x0;
	[sflag:s24] =	ssyncadd.s32 $0xFFFFC000  }
0xa0: {  	v3 =	vld [tilespmem:s29+$0x8070]  }
0xa1: {  	v5 =	vld [tilespmem:s29+$0x8000]  }
0xa2: {  	v9 =	vld [tilespmem:s29+$0x8010]  }
0xa3: {  	v7 =	vld [tilespmem:s29+$0x8020]  }
0xa4: {  	v6 =	vld [tilespmem:s29+$0x8030]  }
0xa5: {  	v4 =	vld [tilespmem:s29+$0x8040];
	vm0 =	veq.f32 v3, v2  }
0xa6: {  	v3 =	vld [tilespmem:s29+$0x8050];
	vm1 =	veq.f32 v5, v2;
	v10 =	vsel vm0, $0x1, v1  }
0xa7: {  	s30 =	simm.s32 $0x400;
	s28 =	simm.s32 $0x80;
	v5 =	vld [tilespmem:s29+$0x8060];
	v8 =	vsel vm1, $0x1, v1;
	vm0 =	veq.f32 v9, v2;
	[tilespmem:s29+$0x10070] =	vst v10  }
.LBB2_10:
0xa8: {  	p0 =	sne.s32 s30, $0xFE00;
	v9 =	vld [tilespmem:s28+$0x8070];
	[tilespmem:s29+$0x10000] =	vst v8;
	v8 =	vsel vm0, $0x1, v1;
	vm0 =	veq.f32 v7, v2  }
0xa9: {  	v10 =	vld [tilespmem:s28+$0x8000];
	[tilespmem:s29+$0x10010] =	vst v8;
	v7 =	vsel vm0, $0x1, v1;
	vm0 =	veq.f32 v6, v2  }
0xaa: {  	v11 =	vld [tilespmem:s28+$0x8010];
	[tilespmem:s29+$0x10020] =	vst v7;
	v6 =	vsel vm0, $0x1, v1;
	vm0 =	veq.f32 v4, v2  }
.Ltmp4:
0xab: {  	v7 =	vld [tilespmem:s28+$0x8020];
	[tilespmem:s29+$0x10030] =	vst v6;
	v4 =	vsel vm0, $0x1, v1;
	vm0 =	veq.f32 v3, v2;
	(pc) =	sbr.rel @p0 .LBB2_10-.Ltmp4, $4  }
0xac: {  	v6 =	vld [tilespmem:s28+$0x8030];
	[tilespmem:s29+$0x10040] =	vst v4;
	v3 =	vsel vm0, $0x1, v1;
	vm0 =	veq.f32 v5, v2  }
0xad: {  	v4 =	vld [tilespmem:s28+$0x8040];
	vm1 =	veq.f32 v9, v2;
	[tilespmem:s29+$0x10050] =	vst v3;
	v5 =	vsel vm0, $0x1, v1  }
0xae: {  	vm0 =	veq.f32 v10, v2;
	v3 =	vld [tilespmem:s28+$0x8050];
	v9 =	vsel vm1, $0x1, v1;
	[tilespmem:s29+$0x10060] =	vst v5;
	s29 =	smov.u32 s28  }
0xaf: {  	s28 =	sshra.s32 s30, $0x2;
	s30 =	sadd.s32 $0x200, s30;
	v8 =	vsel vm0, $0x1, v1;
	vm0 =	veq.f32 v11, v2;
	v5 =	vld [tilespmem:s29+$0x8060];
	[tilespmem:s29+$0x10070] =	vst v9  }
0xb0: {  	v9 =	vld [tilespmem:s28+$0x8070];
	[tilespmem:s29+$0x10000] =	vst v8;
	v8 =	vsel vm0, $0x1, v1;
	vm0 =	veq.f32 v7, v2  }
0xb1: {  	v10 =	vld [tilespmem:s28+$0x8000];
	[tilespmem:s29+$0x10010] =	vst v8;
	v7 =	vsel vm0, $0x1, v1;
	vm0 =	veq.f32 v6, v2  }
0xb2: {  	v8 =	vld [tilespmem:s28+$0x8010];
	[tilespmem:s29+$0x10020] =	vst v7;
	v6 =	vsel vm0, $0x1, v1;
	vm0 =	veq.f32 v4, v2  }
0xb3: {  	v7 =	vld [tilespmem:s28+$0x8020];
	[tilespmem:s29+$0x10030] =	vst v6;
	v4 =	vsel vm0, $0x1, v1;
	vm0 =	veq.f32 v3, v2  }
0xb4: {  	v6 =	vld [tilespmem:s28+$0x8030];
	[tilespmem:s29+$0x10040] =	vst v4;
	v3 =	vsel vm0, $0x1, v1;
	vm0 =	veq.f32 v5, v2  }
0xb5: {  	v4 =	vld [tilespmem:s28+$0x8040];
	[tilespmem:s29+$0x10050] =	vst v3;
	v3 =	vsel vm0, $0x1, v1;
	vm0 =	veq.f32 v9, v2  }
0xb6: {  	v5 =	vld [tilespmem:s28+$0x8050];
	[tilespmem:s29+$0x10060] =	vst v3;
	vm1 =	veq.f32 v10, v2;
	v3 =	vsel vm0, $0x1, v1  }
0xb7: {  	v9 =	vld [tilespmem:s28+$0x8060];
	vm0 =	veq.f32 v8, v2;
	v8 =	vsel vm1, $0x1, v1;
	[tilespmem:s28+$0x10070] =	vst v3  }
0xb8: {  	[tilespmem:s28+$0x10000] =	vst v8;
	v3 =	vsel vm0, $0x1, v1;
	vm0 =	veq.f32 v7, v2  }
0xb9: {  	[tilespmem:s28+$0x10010] =	vst v3;
	v3 =	vsel vm0, $0x1, v1;
	vm0 =	veq.f32 v6, v2  }
0xba: {  	[tilespmem:s28+$0x10020] =	vst v3;
	v3 =	vsel vm0, $0x1, v1;
	vm0 =	veq.f32 v4, v2  }
0xbb: {  	[tilespmem:s28+$0x10030] =	vst v3;
	v3 =	vsel vm0, $0x1, v1;
	vm0 =	veq.f32 v5, v2  }
0xbc: {  	[tilespmem:s28+$0x10040] =	vst v3;
	v3 =	vsel vm0, $0x1, v1;
	vm0 =	veq.f32 v9, v2  }
0xbd: {  	[tilespmem:s28+$0x10050] =	vst v3;
	v3 =	vsel vm0, $0x1, v1  }
0xbe: {  	[tilespmem:s28+$0x10060] =	vst v3  }
0xbf: {  	[hbm4b:s8+s16] =	stream.strided.scatter [tilespmem:s21], [sflag:$0x3], $0x4000, s17, s16, $0x38;
	[tilespmem:$0x18080] =	vst v63  }
0xc0: {  	_ =	swait.ge [sflag:s25], $0x4000  }
0xc1: {  	[sflag:s25] =	ssyncset.done $0x0  }
0xc2: {  	s29 =	simm.s32 $0x0;
	[sflag:s25] =	ssyncadd.s32 $0xFFFFC000  }
0xc3: {  	v3 =	vld [tilespmem:s29+$0xC070]  }
0xc4: {  	v5 =	vld [tilespmem:s29+$0xC000]  }
0xc5: {  	v8 =	vld [tilespmem:s29+$0xC010]  }
0xc6: {  	v7 =	vld [tilespmem:s29+$0xC020]  }
0xc7: {  	v6 =	vld [tilespmem:s29+$0xC030]  }
0xc8: {  	v4 =	vld [tilespmem:s29+$0xC040];
	vm0 =	veq.f32 v3, v2  }
0xc9: {  	v3 =	vld [tilespmem:s29+$0xC050];
	vm1 =	veq.f32 v5, v2;
	v9 =	vsel vm0, $0x1, v1  }
0xca: {  	s30 =	simm.s32 $0x400;
	s28 =	simm.s32 $0x80;
	v5 =	vld [tilespmem:s29+$0xC060];
	vm0 =	veq.f32 v8, v2;
	v8 =	vsel vm1, $0x1, v1;
	[tilespmem:s29+$0x14070] =	vst v9  }
.LBB2_12:
0xcb: {  	p0 =	sne.s32 s30, $0xFE00;
	v9 =	vld [tilespmem:s28+$0xC070];
	[tilespmem:s29+$0x14000] =	vst v8;
	v8 =	vsel vm0, $0x1, v1;
	vm0 =	veq.f32 v7, v2  }
0xcc: {  	v10 =	vld [tilespmem:s28+$0xC000];
	[tilespmem:s29+$0x14010] =	vst v8;
	v7 =	vsel vm0, $0x1, v1;
	vm0 =	veq.f32 v6, v2  }
0xcd: {  	v11 =	vld [tilespmem:s28+$0xC010];
	[tilespmem:s29+$0x14020] =	vst v7;
	v6 =	vsel vm0, $0x1, v1;
	vm0 =	veq.f32 v4, v2  }
.Ltmp5:
0xce: {  	v7 =	vld [tilespmem:s28+$0xC020];
	[tilespmem:s29+$0x14030] =	vst v6;
	v4 =	vsel vm0, $0x1, v1;
	vm0 =	veq.f32 v3, v2;
	(pc) =	sbr.rel @p0 .LBB2_12-.Ltmp5, $4  }
0xcf: {  	v6 =	vld [tilespmem:s28+$0xC030];
	[tilespmem:s29+$0x14040] =	vst v4;
	v3 =	vsel vm0, $0x1, v1;
	vm0 =	veq.f32 v5, v2  }
0xd0: {  	v4 =	vld [tilespmem:s28+$0xC040];
	vm1 =	veq.f32 v9, v2;
	[tilespmem:s29+$0x14050] =	vst v3;
	v5 =	vsel vm0, $0x1, v1  }
0xd1: {  	vm0 =	veq.f32 v10, v2;
	v3 =	vld [tilespmem:s28+$0xC050];
	v9 =	vsel vm1, $0x1, v1;
	[tilespmem:s29+$0x14060] =	vst v5;
	s29 =	smov.u32 s28  }
0xd2: {  	s28 =	sshra.s32 s30, $0x2;
	s30 =	sadd.s32 $0x200, s30;
	v8 =	vsel vm0, $0x1, v1;
	vm0 =	veq.f32 v11, v2;
	v5 =	vld [tilespmem:s29+$0xC060];
	[tilespmem:s29+$0x14070] =	vst v9  }
0xd3: {  	v9 =	vld [tilespmem:s28+$0xC070];
	[tilespmem:s29+$0x14000] =	vst v8;
	v8 =	vsel vm0, $0x1, v1;
	vm4 =	veq.f32 v7, v2  }
0xd4: {  	v10 =	vld [tilespmem:s28+$0xC000];
	[tilespmem:s29+$0x14010] =	vst v8;
	v7 =	vsel vm4, $0x1, v1;
	vm5 =	veq.f32 v6, v2  }
0xd5: {  	v8 =	vld [tilespmem:s28+$0xC010];
	[tilespmem:s29+$0x14020] =	vst v7;
	v6 =	vsel vm5, $0x1, v1;
	vm6 =	veq.f32 v4, v2  }
0xd6: {  	v7 =	vld [tilespmem:s28+$0xC020];
	[tilespmem:s29+$0x14030] =	vst v6;
	v4 =	vsel vm6, $0x1, v1;
	vm7 =	veq.f32 v3, v2  }
0xd7: {  	v6 =	vld [tilespmem:s28+$0xC030];
	[tilespmem:s29+$0x14040] =	vst v4;
	v3 =	vsel vm7, $0x1, v1;
	vm8 =	veq.f32 v5, v2  }
0xd8: {  	v4 =	vld [tilespmem:s28+$0xC040];
	[tilespmem:s29+$0x14050] =	vst v3;
	v3 =	vsel vm8, $0x1, v1;
	vm9 =	veq.f32 v9, v2  }
0xd9: {  	v5 =	vld [tilespmem:s28+$0xC050];
	[tilespmem:s29+$0x14060] =	vst v3;
	vm1 =	veq.f32 v10, v2;
	v3 =	vsel vm9, $0x1, v1  }
0xda: {  	v9 =	vld [tilespmem:s28+$0xC060];
	v10 =	vsel vm1, $0x1, v1;
	vm10 =	veq.f32 v8, v2;
	[tilespmem:s28+$0x14070] =	vst v3  }
0xdb: {  	[tilespmem:s28+$0x14000] =	vst v10;
	v3 =	vsel vm10, $0x1, v1;
	vm11 =	veq.f32 v7, v2  }
0xdc: {  	[tilespmem:s28+$0x14010] =	vst v3;
	v3 =	vsel vm11, $0x1, v1;
	vm12 =	veq.f32 v6, v2  }
0xdd: {  	[tilespmem:s28+$0x14020] =	vst v3;
	v3 =	vsel vm12, $0x1, v1;
	vm13 =	veq.f32 v4, v2  }
0xde: {  	[tilespmem:s28+$0x14030] =	vst v3;
	v3 =	vsel vm13, $0x1, v1;
	vm14 =	veq.f32 v5, v2  }
0xdf: {  	[tilespmem:s28+$0x14040] =	vst v3;
	v3 =	vsel vm14, $0x1, v1;
	vm15 =	veq.f32 v9, v2  }
0xe0: {  	[tilespmem:s28+$0x14050] =	vst v3;
	v2 =	vsel vm15, $0x1, v1  }
0xe1: {  	[tilespmem:s28+$0x14060] =	vst v2  }
0xe2: {  	[hbm4b:s9+s16] =	stream.strided.scatter [tilespmem:s22], [sflag:$0x4], $0x4000, s17, s16, $0x38;
	[tilespmem:$0x18080] =	vst v63  }
0xe3: {  	_ =	swait.ge [sflag:s18], $0x8000  }
0xe4: {  	[sflag:s18] =	ssyncset.done $0x0  }
0xe5: {  	s30 =	simm.s32 $0x0;
	[sflag:s18] =	ssyncadd.s32 $0xFFFF8000  }
0xe6: {  	[tilespmem:s19], [sflag:$0x2] =	stream.strided.gather [hbm4b:s10+s16], $0x8000, s17, s16, $0x38;
	[tilespmem:$0x18080] =	vst v63  }
0xe7: {  	v2 =	vld [tilespmem:s30+$0x70]  }
0xe8: {  	v3 =	vld [tilespmem:s30+$0x0]  }
0xe9: {  	v5 =	vld [tilespmem:s30+$0x10]  }
0xea: {  	v14 =	vld [tilespmem:s30+$0x20]  }
0xeb: {  	v12 =	vld [tilespmem:s30+$0x30]  }
0xec: {  	v8 =	vimm.f32 $-Inf;
	v4 =	vimm.f32 $-Inf;
	v6 =	vld [tilespmem:s30+$0x40]  }
0xed: {  	v7 =	vimm.f32 $-Inf;
	v9 =	vld [tilespmem:s30+$0x50];
	v2 =	vmax.f32 v4, v2;
	v10 =	vmax.f32 v4, v3  }
0xee: {  	s29 =	simm.s32 $0x400;
	s28 =	simm.s32 $0x80;
	v13 =	vld [tilespmem:s30+$0x60];
	v11 =	vmax.f32 v4, v5;
	v5 =	vimm.f32 $-Inf;
	v3 =	vimm.f32 $-Inf  }
.LBB2_14:
0xef: {  	p0 =	sne.s32 s29, $0x1FE00;
	v15 =	vld [tilespmem:s28+$0x70];
	v4 =	vmax.f32 v4, v14  }
0xf0: {  	v16 =	vld [tilespmem:s28+$0x0];
	v7 =	vmax.f32 v7, v12  }
0xf1: {  	v17 =	vld [tilespmem:s28+$0x10];
	v8 =	vmax.f32 v8, v6  }
.Ltmp6:
0xf2: {  	v14 =	vld [tilespmem:s28+$0x20];
	v5 =	vmax.f32 v5, v9;
	(pc) =	sbr.rel @p0 .LBB2_14-.Ltmp6, $4  }
0xf3: {  	v12 =	vld [tilespmem:s28+$0x30];
	v3 =	vmax.f32 v3, v13  }
0xf4: {  	v6 =	vld [tilespmem:s28+$0x40];
	v2 =	vmax.f32 v2, v15  }
0xf5: {  	v10 =	vmax.f32 v10, v16;
	v9 =	vld [tilespmem:s28+$0x50]  }
0xf6: {  	v11 =	vmax.f32 v11, v17;
	v13 =	vld [tilespmem:s28+$0x60];
	s28 =	sshra.s32 s29, $0x2;
	s29 =	sadd.s32 $0x200, s29  }
0xf7: {  	v15 =	vld [tilespmem:s28+$0x0]  }
0xf8: {  	v16 =	vld [tilespmem:s28+$0x10]  }
0xf9: {  	v17 =	vld [tilespmem:s28+$0x20]  }
0xfa: {  	v18 =	vld [tilespmem:s28+$0x30]  }
0xfb: {  	v19 =	vld [tilespmem:s28+$0x40]  }
0xfc: {  	v20 =	vld [tilespmem:s28+$0x50]  }
0xfd: {  	v4 =	vmax.f32 v4, v14;
	v63 =	vld [tilespmem:s28+$0x60];
	v10 =	vmax.f32 v10, v15;
	v11 =	vmax.f32 v11, v16  }
0xfe: {  	v7 =	vmax.f32 v7, v12;
	v4 =	vmax.f32 v4, v17;
	v10 =	vmax.f32 v10, v11;
	v11 =	vld [tilespmem:s28+$0x70]  }
0xff: {  	v6 =	vmax.f32 v8, v6;
	v7 =	vmax.f32 v7, v18;
	v4 =	vmax.f32 v10, v4  }
0x100: {  	v5 =	vmax.f32 v5, v9;
	v6 =	vmax.f32 v6, v19;
	v4 =	vmax.f32 v4, v7  }
0x101: {  	v3 =	vmax.f32 v3, v13;
	v5 =	vmax.f32 v5, v20;
	v4 =	vmax.f32 v4, v6  }
0x102: {  	v3 =	vmax.f32 v3, v63;
	v4 =	vmax.f32 v4, v5  }
0x103: {  	v2 =	vmax.f32 v2, v11;
	v3 =	vmax.f32 v4, v3  }
0x104: {  	v2 =	vmax.f32 v3, v2  }
0x105: {  	(xrf1) =	vsort.ascd.msk.f32 $0xffff, v2, v2;
	_ =	sdelay $0xd  }
0x106: {  	v2, _, _ =	vpop (xrf1)  }
0x107: {  	[tilespmem:$0x18000] =	vst v2  }
0x108: {  	v2 =	vld.idx.msk [tilespmem:v0+s20+$0x0], $0xffff;
	_ =	swait.ge [sflag:s24], $0x4000  }
0x109: {  	[sflag:s24] =	ssyncset.done $0x0  }
0x10a: {  	s29 =	simm.s32 $0x0;
	[sflag:s24] =	ssyncadd.s32 $0xFFFFC000  }
0x10b: {  	v3 =	vld [tilespmem:s29+$0x70]  }
0x10c: {  	v5 =	vld [tilespmem:s29+$0x0]  }
0x10d: {  	v9 =	vld [tilespmem:s29+$0x10]  }
0x10e: {  	v7 =	vld [tilespmem:s29+$0x20]  }
0x10f: {  	v6 =	vld [tilespmem:s29+$0x30]  }
0x110: {  	v4 =	vld [tilespmem:s29+$0x40];
	vm0 =	veq.f32 v3, v2  }
0x111: {  	v3 =	vld [tilespmem:s29+$0x50];
	vm1 =	veq.f32 v5, v2;
	v10 =	vsel vm0, $0x1, v1  }
0x112: {  	s30 =	simm.s32 $0x400;
	s28 =	simm.s32 $0x80;
	v5 =	vld [tilespmem:s29+$0x60];
	v8 =	vsel vm1, $0x1, v1;
	vm0 =	veq.f32 v9, v2;
	[tilespmem:s29+$0x10070] =	vst v10  }
.LBB2_16:
0x113: {  	p0 =	sne.s32 s30, $0xFE00;
	v9 =	vld [tilespmem:s28+$0x70];
	[tilespmem:s29+$0x10000] =	vst v8;
	v8 =	vsel vm0, $0x1, v1;
	vm0 =	veq.f32 v7, v2  }
0x114: {  	v10 =	vld [tilespmem:s28+$0x0];
	[tilespmem:s29+$0x10010] =	vst v8;
	v7 =	vsel vm0, $0x1, v1;
	vm0 =	veq.f32 v6, v2  }
0x115: {  	v11 =	vld [tilespmem:s28+$0x10];
	[tilespmem:s29+$0x10020] =	vst v7;
	v6 =	vsel vm0, $0x1, v1;
	vm0 =	veq.f32 v4, v2  }
.Ltmp7:
0x116: {  	v7 =	vld [tilespmem:s28+$0x20];
	[tilespmem:s29+$0x10030] =	vst v6;
	v4 =	vsel vm0, $0x1, v1;
	vm0 =	veq.f32 v3, v2;
	(pc) =	sbr.rel @p0 .LBB2_16-.Ltmp7, $4  }
0x117: {  	v6 =	vld [tilespmem:s28+$0x30];
	[tilespmem:s29+$0x10040] =	vst v4;
	v3 =	vsel vm0, $0x1, v1;
	vm0 =	veq.f32 v5, v2  }
0x118: {  	v4 =	vld [tilespmem:s28+$0x40];
	vm1 =	veq.f32 v9, v2;
	[tilespmem:s29+$0x10050] =	vst v3;
	v5 =	vsel vm0, $0x1, v1  }
0x119: {  	vm0 =	veq.f32 v10, v2;
	v3 =	vld [tilespmem:s28+$0x50];
	v9 =	vsel vm1, $0x1, v1;
	[tilespmem:s29+$0x10060] =	vst v5;
	s29 =	smov.u32 s28  }
0x11a: {  	s28 =	sshra.s32 s30, $0x2;
	s30 =	sadd.s32 $0x200, s30;
	v8 =	vsel vm0, $0x1, v1;
	vm0 =	veq.f32 v11, v2;
	v5 =	vld [tilespmem:s29+$0x60];
	[tilespmem:s29+$0x10070] =	vst v9  }
0x11b: {  	v9 =	vld [tilespmem:s28+$0x70];
	[tilespmem:s29+$0x10000] =	vst v8;
	v8 =	vsel vm0, $0x1, v1;
	vm0 =	veq.f32 v7, v2  }
0x11c: {  	v10 =	vld [tilespmem:s28+$0x0];
	[tilespmem:s29+$0x10010] =	vst v8;
	v7 =	vsel vm0, $0x1, v1;
	vm0 =	veq.f32 v6, v2  }
0x11d: {  	v8 =	vld [tilespmem:s28+$0x10];
	[tilespmem:s29+$0x10020] =	vst v7;
	v6 =	vsel vm0, $0x1, v1;
	vm0 =	veq.f32 v4, v2  }
0x11e: {  	v7 =	vld [tilespmem:s28+$0x20];
	[tilespmem:s29+$0x10030] =	vst v6;
	v4 =	vsel vm0, $0x1, v1;
	vm0 =	veq.f32 v3, v2  }
0x11f: {  	v6 =	vld [tilespmem:s28+$0x30];
	[tilespmem:s29+$0x10040] =	vst v4;
	v3 =	vsel vm0, $0x1, v1;
	vm0 =	veq.f32 v5, v2  }
0x120: {  	v4 =	vld [tilespmem:s28+$0x40];
	[tilespmem:s29+$0x10050] =	vst v3;
	v3 =	vsel vm0, $0x1, v1;
	vm0 =	veq.f32 v9, v2  }
0x121: {  	v5 =	vld [tilespmem:s28+$0x50];
	[tilespmem:s29+$0x10060] =	vst v3;
	vm1 =	veq.f32 v10, v2;
	v3 =	vsel vm0, $0x1, v1  }
0x122: {  	v9 =	vld [tilespmem:s28+$0x60];
	vm0 =	veq.f32 v8, v2;
	v8 =	vsel vm1, $0x1, v1;
	[tilespmem:s28+$0x10070] =	vst v3  }
0x123: {  	[tilespmem:s28+$0x10000] =	vst v8;
	v3 =	vsel vm0, $0x1, v1;
	vm0 =	veq.f32 v7, v2  }
0x124: {  	[tilespmem:s28+$0x10010] =	vst v3;
	v3 =	vsel vm0, $0x1, v1;
	vm0 =	veq.f32 v6, v2  }
0x125: {  	[tilespmem:s28+$0x10020] =	vst v3;
	v3 =	vsel vm0, $0x1, v1;
	vm0 =	veq.f32 v4, v2  }
0x126: {  	[tilespmem:s28+$0x10030] =	vst v3;
	v3 =	vsel vm0, $0x1, v1;
	vm0 =	veq.f32 v5, v2  }
0x127: {  	[tilespmem:s28+$0x10040] =	vst v3;
	v3 =	vsel vm0, $0x1, v1;
	vm0 =	veq.f32 v9, v2  }
0x128: {  	[tilespmem:s28+$0x10050] =	vst v3;
	v3 =	vsel vm0, $0x1, v1  }
0x129: {  	[tilespmem:s28+$0x10060] =	vst v3  }
0x12a: {  	[hbm4b:s11+s16] =	stream.strided.scatter [tilespmem:s21], [sflag:$0x3], $0x4000, s17, s16, $0x38;
	[tilespmem:$0x18080] =	vst v63  }
0x12b: {  	_ =	swait.ge [sflag:s25], $0x4000  }
0x12c: {  	[sflag:s25] =	ssyncset.done $0x0  }
0x12d: {  	s29 =	simm.s32 $0x0;
	[sflag:s25] =	ssyncadd.s32 $0xFFFFC000  }
0x12e: {  	v3 =	vld [tilespmem:s29+$0x4070]  }
0x12f: {  	v5 =	vld [tilespmem:s29+$0x4000]  }
0x130: {  	v8 =	vld [tilespmem:s29+$0x4010]  }
0x131: {  	v7 =	vld [tilespmem:s29+$0x4020]  }
0x132: {  	v6 =	vld [tilespmem:s29+$0x4030]  }
0x133: {  	v4 =	vld [tilespmem:s29+$0x4040];
	vm0 =	veq.f32 v3, v2  }
0x134: {  	v3 =	vld [tilespmem:s29+$0x4050];
	vm1 =	veq.f32 v5, v2;
	v9 =	vsel vm0, $0x1, v1  }
0x135: {  	s30 =	simm.s32 $0x400;
	s28 =	simm.s32 $0x80;
	v5 =	vld [tilespmem:s29+$0x4060];
	vm0 =	veq.f32 v8, v2;
	v8 =	vsel vm1, $0x1, v1;
	[tilespmem:s29+$0x14070] =	vst v9  }
.LBB2_18:
0x136: {  	p0 =	sne.s32 s30, $0xFE00;
	v9 =	vld [tilespmem:s28+$0x4070];
	[tilespmem:s29+$0x14000] =	vst v8;
	v8 =	vsel vm0, $0x1, v1;
	vm0 =	veq.f32 v7, v2  }
0x137: {  	v10 =	vld [tilespmem:s28+$0x4000];
	[tilespmem:s29+$0x14010] =	vst v8;
	v7 =	vsel vm0, $0x1, v1;
	vm0 =	veq.f32 v6, v2  }
0x138: {  	v11 =	vld [tilespmem:s28+$0x4010];
	[tilespmem:s29+$0x14020] =	vst v7;
	v6 =	vsel vm0, $0x1, v1;
	vm0 =	veq.f32 v4, v2  }
.Ltmp8:
0x139: {  	v7 =	vld [tilespmem:s28+$0x4020];
	[tilespmem:s29+$0x14030] =	vst v6;
	v4 =	vsel vm0, $0x1, v1;
	vm0 =	veq.f32 v3, v2;
	(pc) =	sbr.rel @p0 .LBB2_18-.Ltmp8, $4  }
0x13a: {  	v6 =	vld [tilespmem:s28+$0x4030];
	[tilespmem:s29+$0x14040] =	vst v4;
	v3 =	vsel vm0, $0x1, v1;
	vm0 =	veq.f32 v5, v2  }
0x13b: {  	v4 =	vld [tilespmem:s28+$0x4040];
	vm1 =	veq.f32 v9, v2;
	[tilespmem:s29+$0x14050] =	vst v3;
	v5 =	vsel vm0, $0x1, v1  }
0x13c: {  	vm0 =	veq.f32 v10, v2;
	v3 =	vld [tilespmem:s28+$0x4050];
	v9 =	vsel vm1, $0x1, v1;
	[tilespmem:s29+$0x14060] =	vst v5;
	s29 =	smov.u32 s28  }
0x13d: {  	s28 =	sshra.s32 s30, $0x2;
	s30 =	sadd.s32 $0x200, s30;
	v8 =	vsel vm0, $0x1, v1;
	vm0 =	veq.f32 v11, v2;
	v5 =	vld [tilespmem:s29+$0x4060];
	[tilespmem:s29+$0x14070] =	vst v9  }
0x13e: {  	v9 =	vld [tilespmem:s28+$0x4070];
	[tilespmem:s29+$0x14000] =	vst v8;
	v8 =	vsel vm0, $0x1, v1;
	vm4 =	veq.f32 v7, v2  }
0x13f: {  	v10 =	vld [tilespmem:s28+$0x4000];
	[tilespmem:s29+$0x14010] =	vst v8;
	v7 =	vsel vm4, $0x1, v1;
	vm5 =	veq.f32 v6, v2  }
0x140: {  	v8 =	vld [tilespmem:s28+$0x4010];
	[tilespmem:s29+$0x14020] =	vst v7;
	v6 =	vsel vm5, $0x1, v1;
	vm6 =	veq.f32 v4, v2  }
0x141: {  	v7 =	vld [tilespmem:s28+$0x4020];
	[tilespmem:s29+$0x14030] =	vst v6;
	v4 =	vsel vm6, $0x1, v1;
	vm7 =	veq.f32 v3, v2  }
0x142: {  	v6 =	vld [tilespmem:s28+$0x4030];
	[tilespmem:s29+$0x14040] =	vst v4;
	v3 =	vsel vm7, $0x1, v1;
	vm8 =	veq.f32 v5, v2  }
0x143: {  	v4 =	vld [tilespmem:s28+$0x4040];
	[tilespmem:s29+$0x14050] =	vst v3;
	v3 =	vsel vm8, $0x1, v1;
	vm9 =	veq.f32 v9, v2  }
0x144: {  	v5 =	vld [tilespmem:s28+$0x4050];
	[tilespmem:s29+$0x14060] =	vst v3;
	vm1 =	veq.f32 v10, v2;
	v3 =	vsel vm9, $0x1, v1  }
0x145: {  	v9 =	vld [tilespmem:s28+$0x4060];
	v10 =	vsel vm1, $0x1, v1;
	vm10 =	veq.f32 v8, v2;
	[tilespmem:s28+$0x14070] =	vst v3  }
0x146: {  	[tilespmem:s28+$0x14000] =	vst v10;
	v3 =	vsel vm10, $0x1, v1;
	vm11 =	veq.f32 v7, v2  }
0x147: {  	[tilespmem:s28+$0x14010] =	vst v3;
	v3 =	vsel vm11, $0x1, v1;
	vm12 =	veq.f32 v6, v2  }
0x148: {  	[tilespmem:s28+$0x14020] =	vst v3;
	v3 =	vsel vm12, $0x1, v1;
	vm13 =	veq.f32 v4, v2  }
0x149: {  	[tilespmem:s28+$0x14030] =	vst v3;
	v3 =	vsel vm13, $0x1, v1;
	vm14 =	veq.f32 v5, v2  }
0x14a: {  	[tilespmem:s28+$0x14040] =	vst v3;
	v3 =	vsel vm14, $0x1, v1;
	vm15 =	veq.f32 v9, v2  }
0x14b: {  	[tilespmem:s28+$0x14050] =	vst v3;
	v2 =	vsel vm15, $0x1, v1  }
0x14c: {  	[tilespmem:s28+$0x14060] =	vst v2  }
0x14d: {  	[hbm4b:s12+s16] =	stream.strided.scatter [tilespmem:s22], [sflag:$0x4], $0x4000, s17, s16, $0x38;
	[tilespmem:$0x18080] =	vst v63  }
0x14e: {  	_ =	swait.ge [sflag:s23], $0x8000  }
0x14f: {  	[sflag:s23] =	ssyncset.done $0x0  }
0x150: {  	s30 =	simm.s32 $0x0;
	[sflag:s23] =	ssyncadd.s32 $0xFFFF8000  }
0x151: {  	v2 =	vld [tilespmem:s30+$0x8070]  }
0x152: {  	v3 =	vld [tilespmem:s30+$0x8000]  }
0x153: {  	v5 =	vld [tilespmem:s30+$0x8010]  }
0x154: {  	v14 =	vld [tilespmem:s30+$0x8020]  }
0x155: {  	v12 =	vld [tilespmem:s30+$0x8030]  }
0x156: {  	v8 =	vimm.f32 $-Inf;
	v4 =	vimm.f32 $-Inf;
	v6 =	vld [tilespmem:s30+$0x8040]  }
0x157: {  	v7 =	vimm.f32 $-Inf;
	v9 =	vld [tilespmem:s30+$0x8050];
	v2 =	vmax.f32 v4, v2;
	v10 =	vmax.f32 v4, v3  }
0x158: {  	s29 =	simm.s32 $0x400;
	s28 =	simm.s32 $0x80;
	v13 =	vld [tilespmem:s30+$0x8060];
	v11 =	vmax.f32 v4, v5;
	v5 =	vimm.f32 $-Inf;
	v3 =	vimm.f32 $-Inf  }
.LBB2_20:
0x159: {  	p0 =	sne.s32 s29, $0x1FE00;
	v15 =	vld [tilespmem:s28+$0x8070];
	v4 =	vmax.f32 v4, v14  }
0x15a: {  	v16 =	vld [tilespmem:s28+$0x8000];
	v7 =	vmax.f32 v7, v12  }
0x15b: {  	v17 =	vld [tilespmem:s28+$0x8010];
	v8 =	vmax.f32 v8, v6  }
.Ltmp9:
0x15c: {  	v14 =	vld [tilespmem:s28+$0x8020];
	v5 =	vmax.f32 v5, v9;
	(pc) =	sbr.rel @p0 .LBB2_20-.Ltmp9, $4  }
0x15d: {  	v12 =	vld [tilespmem:s28+$0x8030];
	v3 =	vmax.f32 v3, v13  }
0x15e: {  	v6 =	vld [tilespmem:s28+$0x8040];
	v2 =	vmax.f32 v2, v15  }
0x15f: {  	v10 =	vmax.f32 v10, v16;
	v9 =	vld [tilespmem:s28+$0x8050]  }
0x160: {  	v11 =	vmax.f32 v11, v17;
	v13 =	vld [tilespmem:s28+$0x8060];
	s28 =	sshra.s32 s29, $0x2;
	s29 =	sadd.s32 $0x200, s29  }
0x161: {  	v15 =	vld [tilespmem:s28+$0x8000]  }
0x162: {  	v16 =	vld [tilespmem:s28+$0x8010]  }
0x163: {  	v17 =	vld [tilespmem:s28+$0x8020]  }
0x164: {  	v18 =	vld [tilespmem:s28+$0x8030]  }
0x165: {  	v19 =	vld [tilespmem:s28+$0x8040]  }
0x166: {  	v20 =	vld [tilespmem:s28+$0x8050]  }
0x167: {  	v4 =	vmax.f32 v4, v14;
	v63 =	vld [tilespmem:s28+$0x8060];
	v10 =	vmax.f32 v10, v15;
	v11 =	vmax.f32 v11, v16  }
0x168: {  	v7 =	vmax.f32 v7, v12;
	v4 =	vmax.f32 v4, v17;
	v10 =	vmax.f32 v10, v11;
	v11 =	vld [tilespmem:s28+$0x8070]  }
0x169: {  	v6 =	vmax.f32 v8, v6;
	v7 =	vmax.f32 v7, v18;
	v4 =	vmax.f32 v10, v4  }
0x16a: {  	v5 =	vmax.f32 v5, v9;
	v6 =	vmax.f32 v6, v19;
	v4 =	vmax.f32 v4, v7  }
0x16b: {  	v3 =	vmax.f32 v3, v13;
	v5 =	vmax.f32 v5, v20;
	v4 =	vmax.f32 v4, v6  }
0x16c: {  	v3 =	vmax.f32 v3, v63;
	v4 =	vmax.f32 v4, v5  }
0x16d: {  	v2 =	vmax.f32 v2, v11;
	v3 =	vmax.f32 v4, v3  }
0x16e: {  	v2 =	vmax.f32 v3, v2  }
0x16f: {  	(xrf1) =	vsort.ascd.msk.f32 $0xffff, v2, v2;
	_ =	sdelay $0xd  }
0x170: {  	v2, _, _ =	vpop (xrf1)  }
0x171: {  	[tilespmem:$0x18000] =	vst v2  }
0x172: {  	v2 =	vld.idx.msk [tilespmem:v0+s20+$0x0], $0xffff;
	_ =	swait.ge [sflag:s24], $0x4000  }
0x173: {  	[sflag:s24] =	ssyncset.done $0x0  }
0x174: {  	s29 =	simm.s32 $0x0;
	[sflag:s24] =	ssyncadd.s32 $0xFFFFC000  }
0x175: {  	v3 =	vld [tilespmem:s29+$0x8070]  }
0x176: {  	v5 =	vld [tilespmem:s29+$0x8000]  }
0x177: {  	v9 =	vld [tilespmem:s29+$0x8010]  }
0x178: {  	v7 =	vld [tilespmem:s29+$0x8020]  }
0x179: {  	v6 =	vld [tilespmem:s29+$0x8030]  }
0x17a: {  	v4 =	vld [tilespmem:s29+$0x8040];
	vm0 =	veq.f32 v3, v2  }
0x17b: {  	v3 =	vld [tilespmem:s29+$0x8050];
	vm1 =	veq.f32 v5, v2;
	v10 =	vsel vm0, $0x1, v1  }
0x17c: {  	s30 =	simm.s32 $0x400;
	s28 =	simm.s32 $0x80;
	v5 =	vld [tilespmem:s29+$0x8060];
	v8 =	vsel vm1, $0x1, v1;
	vm0 =	veq.f32 v9, v2;
	[tilespmem:s29+$0x10070] =	vst v10  }
.LBB2_22:
0x17d: {  	p0 =	sne.s32 s30, $0xFE00;
	v9 =	vld [tilespmem:s28+$0x8070];
	[tilespmem:s29+$0x10000] =	vst v8;
	v8 =	vsel vm0, $0x1, v1;
	vm0 =	veq.f32 v7, v2  }
0x17e: {  	v10 =	vld [tilespmem:s28+$0x8000];
	[tilespmem:s29+$0x10010] =	vst v8;
	v7 =	vsel vm0, $0x1, v1;
	vm0 =	veq.f32 v6, v2  }
0x17f: {  	v11 =	vld [tilespmem:s28+$0x8010];
	[tilespmem:s29+$0x10020] =	vst v7;
	v6 =	vsel vm0, $0x1, v1;
	vm0 =	veq.f32 v4, v2  }
.Ltmp10:
0x180: {  	v7 =	vld [tilespmem:s28+$0x8020];
	[tilespmem:s29+$0x10030] =	vst v6;
	v4 =	vsel vm0, $0x1, v1;
	vm0 =	veq.f32 v3, v2;
	(pc) =	sbr.rel @p0 .LBB2_22-.Ltmp10, $4  }
0x181: {  	v6 =	vld [tilespmem:s28+$0x8030];
	[tilespmem:s29+$0x10040] =	vst v4;
	v3 =	vsel vm0, $0x1, v1;
	vm0 =	veq.f32 v5, v2  }
0x182: {  	v4 =	vld [tilespmem:s28+$0x8040];
	vm1 =	veq.f32 v9, v2;
	[tilespmem:s29+$0x10050] =	vst v3;
	v5 =	vsel vm0, $0x1, v1  }
0x183: {  	vm0 =	veq.f32 v10, v2;
	v3 =	vld [tilespmem:s28+$0x8050];
	v9 =	vsel vm1, $0x1, v1;
	[tilespmem:s29+$0x10060] =	vst v5;
	s29 =	smov.u32 s28  }
0x184: {  	s28 =	sshra.s32 s30, $0x2;
	s30 =	sadd.s32 $0x200, s30;
	v8 =	vsel vm0, $0x1, v1;
	vm0 =	veq.f32 v11, v2;
	v5 =	vld [tilespmem:s29+$0x8060];
	[tilespmem:s29+$0x10070] =	vst v9  }
0x185: {  	v9 =	vld [tilespmem:s28+$0x8070];
	[tilespmem:s29+$0x10000] =	vst v8;
	v8 =	vsel vm0, $0x1, v1;
	vm0 =	veq.f32 v7, v2  }
0x186: {  	v10 =	vld [tilespmem:s28+$0x8000];
	[tilespmem:s29+$0x10010] =	vst v8;
	v7 =	vsel vm0, $0x1, v1;
	vm0 =	veq.f32 v6, v2  }
0x187: {  	v8 =	vld [tilespmem:s28+$0x8010];
	[tilespmem:s29+$0x10020] =	vst v7;
	v6 =	vsel vm0, $0x1, v1;
	vm0 =	veq.f32 v4, v2  }
0x188: {  	v7 =	vld [tilespmem:s28+$0x8020];
	[tilespmem:s29+$0x10030] =	vst v6;
	v4 =	vsel vm0, $0x1, v1;
	vm0 =	veq.f32 v3, v2  }
0x189: {  	v6 =	vld [tilespmem:s28+$0x8030];
	[tilespmem:s29+$0x10040] =	vst v4;
	v3 =	vsel vm0, $0x1, v1;
	vm0 =	veq.f32 v5, v2  }
0x18a: {  	v4 =	vld [tilespmem:s28+$0x8040];
	[tilespmem:s29+$0x10050] =	vst v3;
	v3 =	vsel vm0, $0x1, v1;
	vm0 =	veq.f32 v9, v2  }
0x18b: {  	v5 =	vld [tilespmem:s28+$0x8050];
	[tilespmem:s29+$0x10060] =	vst v3;
	vm1 =	veq.f32 v10, v2;
	v3 =	vsel vm0, $0x1, v1  }
0x18c: {  	v9 =	vld [tilespmem:s28+$0x8060];
	vm0 =	veq.f32 v8, v2;
	v8 =	vsel vm1, $0x1, v1;
	[tilespmem:s28+$0x10070] =	vst v3  }
0x18d: {  	[tilespmem:s28+$0x10000] =	vst v8;
	v3 =	vsel vm0, $0x1, v1;
	vm0 =	veq.f32 v7, v2  }
0x18e: {  	[tilespmem:s28+$0x10010] =	vst v3;
	v3 =	vsel vm0, $0x1, v1;
	vm0 =	veq.f32 v6, v2  }
0x18f: {  	[tilespmem:s28+$0x10020] =	vst v3;
	v3 =	vsel vm0, $0x1, v1;
	vm0 =	veq.f32 v4, v2  }
0x190: {  	[tilespmem:s28+$0x10030] =	vst v3;
	v3 =	vsel vm0, $0x1, v1;
	vm0 =	veq.f32 v5, v2  }
0x191: {  	[tilespmem:s28+$0x10040] =	vst v3;
	v3 =	vsel vm0, $0x1, v1;
	vm0 =	veq.f32 v9, v2  }
0x192: {  	[tilespmem:s28+$0x10050] =	vst v3;
	v3 =	vsel vm0, $0x1, v1  }
0x193: {  	[tilespmem:s28+$0x10060] =	vst v3  }
0x194: {  	[hbm4b:s13+s16] =	stream.strided.scatter [tilespmem:s21], [sflag:$0x3], $0x4000, s17, s16, $0x38;
	[tilespmem:$0x18080] =	vst v63  }
0x195: {  	_ =	swait.ge [sflag:s25], $0x4000  }
0x196: {  	[sflag:s25] =	ssyncset.done $0x0  }
0x197: {  	s29 =	simm.s32 $0x0;
	[sflag:s25] =	ssyncadd.s32 $0xFFFFC000  }
0x198: {  	v3 =	vld [tilespmem:s29+$0xC070]  }
0x199: {  	v5 =	vld [tilespmem:s29+$0xC000]  }
0x19a: {  	v8 =	vld [tilespmem:s29+$0xC010]  }
0x19b: {  	v7 =	vld [tilespmem:s29+$0xC020]  }
0x19c: {  	v6 =	vld [tilespmem:s29+$0xC030]  }
0x19d: {  	v4 =	vld [tilespmem:s29+$0xC040];
	vm0 =	veq.f32 v3, v2  }
0x19e: {  	v3 =	vld [tilespmem:s29+$0xC050];
	vm1 =	veq.f32 v5, v2;
	v9 =	vsel vm0, $0x1, v1  }
0x19f: {  	s30 =	simm.s32 $0x400;
	s28 =	simm.s32 $0x80;
	v5 =	vld [tilespmem:s29+$0xC060];
	vm0 =	veq.f32 v8, v2;
	v8 =	vsel vm1, $0x1, v1;
	[tilespmem:s29+$0x14070] =	vst v9  }
.LBB2_24:
0x1a0: {  	p0 =	sne.s32 s30, $0xFE00;
	v9 =	vld [tilespmem:s28+$0xC070];
	[tilespmem:s29+$0x14000] =	vst v8;
	v8 =	vsel vm0, $0x1, v1;
	vm0 =	veq.f32 v7, v2  }
0x1a1: {  	v10 =	vld [tilespmem:s28+$0xC000];
	[tilespmem:s29+$0x14010] =	vst v8;
	v7 =	vsel vm0, $0x1, v1;
	vm0 =	veq.f32 v6, v2  }
0x1a2: {  	v11 =	vld [tilespmem:s28+$0xC010];
	[tilespmem:s29+$0x14020] =	vst v7;
	v6 =	vsel vm0, $0x1, v1;
	vm0 =	veq.f32 v4, v2  }
.Ltmp11:
0x1a3: {  	v7 =	vld [tilespmem:s28+$0xC020];
	[tilespmem:s29+$0x14030] =	vst v6;
	v4 =	vsel vm0, $0x1, v1;
	vm0 =	veq.f32 v3, v2;
	(pc) =	sbr.rel @p0 .LBB2_24-.Ltmp11, $4  }
0x1a4: {  	v6 =	vld [tilespmem:s28+$0xC030];
	[tilespmem:s29+$0x14040] =	vst v4;
	v3 =	vsel vm0, $0x1, v1;
	vm0 =	veq.f32 v5, v2  }
0x1a5: {  	v4 =	vld [tilespmem:s28+$0xC040];
	vm1 =	veq.f32 v9, v2;
	[tilespmem:s29+$0x14050] =	vst v3;
	v5 =	vsel vm0, $0x1, v1  }
0x1a6: {  	vm0 =	veq.f32 v10, v2;
	v3 =	vld [tilespmem:s28+$0xC050];
	v9 =	vsel vm1, $0x1, v1;
	[tilespmem:s29+$0x14060] =	vst v5;
	s29 =	smov.u32 s28  }
0x1a7: {  	s28 =	sshra.s32 s30, $0x2;
	s30 =	sadd.s32 $0x200, s30;
	v8 =	vsel vm0, $0x1, v1;
	vm0 =	veq.f32 v11, v2;
	v5 =	vld [tilespmem:s29+$0xC060];
	[tilespmem:s29+$0x14070] =	vst v9  }
0x1a8: {  	v9 =	vld [tilespmem:s28+$0xC070];
	[tilespmem:s29+$0x14000] =	vst v8;
	v60 =	vsel vm0, $0x1, v1;
	vm4 =	veq.f32 v7, v2  }
0x1a9: {  	v10 =	vld [tilespmem:s28+$0xC000];
	[tilespmem:s29+$0x14010] =	vst v60;
	v7 =	vsel vm4, $0x1, v1;
	vm5 =	veq.f32 v6, v2  }
0x1aa: {  	v8 =	vld [tilespmem:s28+$0xC010];
	[tilespmem:s29+$0x14020] =	vst v7;
	v6 =	vsel vm5, $0x1, v1;
	vm6 =	veq.f32 v4, v2  }
0x1ab: {  	v7 =	vld [tilespmem:s28+$0xC020];
	[tilespmem:s29+$0x14030] =	vst v6;
	v4 =	vsel vm6, $0x1, v1;
	vm7 =	veq.f32 v3, v2  }
0x1ac: {  	v6 =	vld [tilespmem:s28+$0xC030];
	[tilespmem:s29+$0x14040] =	vst v4;
	v3 =	vsel vm7, $0x1, v1;
	vm8 =	veq.f32 v5, v2  }
0x1ad: {  	v4 =	vld [tilespmem:s28+$0xC040];
	[tilespmem:s29+$0x14050] =	vst v3;
	v3 =	vsel vm8, $0x1, v1;
	vm9 =	veq.f32 v9, v2  }
0x1ae: {  	v61 =	vld [tilespmem:s28+$0xC050];
	[tilespmem:s29+$0x14060] =	vst v3;
	vm1 =	veq.f32 v10, v2;
	v3 =	vsel vm9, $0x1, v1  }
0x1af: {  	v62 =	vld [tilespmem:s28+$0xC060];
	vm10 =	veq.f32 v8, v2;
	v63 =	vsel vm1, $0x1, v1;
	[tilespmem:s28+$0x14070] =	vst v3  }
0x1b0: {  	[tilespmem:s28+$0x14000] =	vst v63;
	v3 =	vsel vm10, $0x1, v1;
	vm11 =	veq.f32 v7, v2  }
0x1b1: {  	[tilespmem:s28+$0x14010] =	vst v3;
	v3 =	vsel vm11, $0x1, v1;
	vm12 =	veq.f32 v6, v2  }
0x1b2: {  	[tilespmem:s28+$0x14020] =	vst v3;
	v3 =	vsel vm12, $0x1, v1;
	vm13 =	veq.f32 v4, v2  }
0x1b3: {  	[tilespmem:s28+$0x14030] =	vst v3;
	v3 =	vsel vm13, $0x1, v1;
	vm14 =	veq.f32 v61, v2  }
0x1b4: {  	[tilespmem:s28+$0x14040] =	vst v3;
	v3 =	vsel vm14, $0x1, v1;
	vm15 =	veq.f32 v62, v2  }
0x1b5: {  	[tilespmem:s28+$0x14050] =	vst v3;
	v2 =	vsel vm15, $0x1, v1  }
0x1b6: {  	s26 =	sadd.s32 $0x1, s26;
	[tilespmem:s28+$0x14060] =	vst v2  }
0x1b7: {  	[hbm4b:s14+s16] =	stream.strided.scatter [tilespmem:s22], [sflag:$0x4], $0x4000, s17, s16, $0x38;
	[tilespmem:$0x18080] =	vst v63  }
0x1b8: {  	p0 =	sne.s32 s26, s15;
	_ =	swait.ge [sflag:s24], $0x4000  }
.Ltmp12:
0x1b9: {  	[sflag:s24] =	ssyncset.done $0x0;
	(pc) =	sbr.rel @p0 .LBB2_1-.Ltmp12, $4  }
0x1ba: {  	[sflag:s24] =	ssyncadd.s32 $0xFFFFC000  }
0x1bb: {  	_ =	swait.ge [sflag:s25], $0x4000  }
0x1bc: {  	[sflag:s25] =	ssyncset.done $0x0  }
0x1bd: {  	[sflag:s25] =	ssyncadd.s32 $0xFFFFC000  }
0x1be: {  	_ =	sfence.sel $0x180000  }
0x1bf: {  	[bflag:$0x0] =	sbarrier.arrive $0xFFFF  }
0x1c0: {  	p0 =	sne.s32 s1, $0x0;
	_ =	strace $0x90000047  }
0x1c1: {  	s0 =	sadd.s32 @!p0 $0x100000, s0;
	[bflag:$0x2] =	sbarrier.arrive $0xFFFF  }
0x1c2: {  	[sflag:s0] =	ssyncadd.tile.s32 @!p0 $0x1;
	_ =	shalt  }
.Lfunc_end2:
_tile_overlayer_lowered:
.L_overlay_start_2:
0x1c3: {  	(tag) =	ssettag $0x2  }
0x1c4: {  	s0 =	rddreg [dreg:$0x0];
	s2 =	stileid.u32  }
0x1c5: {  	s1 =	rddreg [dreg:$0x1];
	p0 =	sne.s32 s2, $0x0  }
0x1c6: {  	s3 =	rddreg [dreg:$0x2];
	[bflag:$0x3] =	sbarrier.arrive $0xFFFF;
	s2 =	simm.s32 @!p0 $0x1C05  }
0x1c7: {  	[timem:s3], [sflag:s2] =	dma.local @!p0 [hbm:s0], s1  }
0x1c8: {  	s0 =	simm.s32 @!p0 $0x5  }
0x1c9: {  	_ =	swait.ge @!p0 [sflag:s0], s1  }
0x1ca: {  	s1 =	ssub.s32 @!p0 $0x0, s1;
	[sflag:s0] =	ssyncset.done @!p0 $0x0  }
0x1cb: {  	[sflag:s0] =	ssyncadd.s32 @!p0 s1  }
0x1cc: {  	[bflag:$0x3] =	sbarrier.arrive $0xFFFF  }
0x1cd: {  	_ =	shalt  }

</sc_bundles>
